<compile_context>
chip_gen: v7x
topology: tpu7x:2x2x1
jax: 0.10.2.dev20260603
libtpu: 0.0.44.dev20260713+nightly
codegen_flags: <defaults>
</compile_context>

<pallas_src>
import functools

import jax
import jax.numpy as jnp
from jax import lax
from jax.experimental import pallas as pl
from jax.experimental.pallas import tpu as pltpu
from jax.experimental.pallas import tpu_sc as plsc

_NUM_CORES = 2
_NUM_SUBCORES = 16
_NUM_WORKERS = _NUM_CORES * _NUM_SUBCORES

_CHUNK = 32
_DEPTH = 3


@functools.partial(jax.jit, static_argnums=(2, 3))
def _sc_gather(ids, table, n, d):
    seqlen = ids.shape[-1]
    b_per_w = n // _NUM_WORKERS
    w_per_row = seqlen // b_per_w
    n_chunks = b_per_w // _CHUNK
    mesh = plsc.VectorSubcoreMesh(core_axis_name="c", subcore_axis_name="s")

    @functools.partial(
        pl.kernel,
        out_type=jax.ShapeDtypeStruct((n, d), jnp.float32),
        mesh=mesh,
        scratch_types=[
            pltpu.VMEM((b_per_w,), jnp.int32),
            pltpu.VMEM((_DEPTH, _CHUNK, d), jnp.float32),
            pltpu.SemaphoreType.DMA((_DEPTH,)),
            pltpu.SemaphoreType.DMA((_DEPTH,)),
        ],
    )
    def k(ids_hbm, table_hbm, out_hbm, idx_v, rows_v, gsem, wsem):
        wid = lax.axis_index("s") * _NUM_CORES + lax.axis_index("c")
        base = wid * b_per_w
        pltpu.sync_copy(
            ids_hbm.at[wid // w_per_row, pl.ds((wid % w_per_row) * b_per_w, b_per_w)],
            idx_v,
        )

        def gather(j, b):
            off = j * _CHUNK
            pltpu.async_copy(
                table_hbm.at[idx_v.at[pl.ds(off, _CHUNK)]],
                rows_v.at[b],
                gsem.at[b],
            )

        def gather_wait(b):
            pltpu.make_async_copy(
                table_hbm.at[pl.ds(0, _CHUNK)], rows_v.at[b], gsem.at[b]
            ).wait()

        def write(j, b):
            off = j * _CHUNK
            pltpu.async_copy(
                rows_v.at[b], out_hbm.at[pl.ds(base + off, _CHUNK)], wsem.at[b]
            )

        def write_wait(b):
            pltpu.make_async_copy(
                rows_v.at[b], out_hbm.at[pl.ds(base, _CHUNK)], wsem.at[b]
            ).wait()

        gather(0, 0)
        gather(1, 1)

        gather_wait(0)
        write(0, 0)
        gather(2, 2)

        def group(i, carry):
            for t in range(_DEPTH):
                j = _DEPTH * i + 1 + t
                b = (1 + t) % _DEPTH
                bn = (b + 2) % _DEPTH
                gather_wait(b)
                write(j, b)
                write_wait(bn)
                gather(j + 2, bn)
            return carry

        lax.fori_loop(0, (n_chunks - 4) // _DEPTH, group, 0)

        for j in range(n_chunks - 4, n_chunks):
            b = j % _DEPTH
            gather_wait(b)
            write(j, b)
            write_wait((b + 2) % _DEPTH)
            if j + 2 < n_chunks:
                gather(j + 2, (b + 2) % _DEPTH)
        write_wait((n_chunks - 1) % _DEPTH)

    return k(ids, table)


def kernel(input_ids, word_embeddings):
    b, s = input_ids.shape
    v, d = word_embeddings.shape
    ids = input_ids.astype(jnp.int32)
    out = _sc_gather(ids, word_embeddings, b * s, d)
    return out.reshape(b, s, d)

# --- scband reference (transcript-rebuilt; emitter-appended) ---
"""Pipeline reference for scband-hnet-embeddings-28312424415322 (READ-ONLY COPY).

The authoritative reference and input builder live on the scoring server;
editing this copy changes nothing except your own understanding.
"""

import jax, jax.numpy as jnp
import numpy as np

VOCAB = 100000
D_MODEL = 1024
BATCH = 4
SEQLEN = 8192


def setup_inputs(seed: int = 0) -> dict:
    key = jax.random.key(seed)
    k_ids, k_tab = jax.random.split(key)
    input_ids = jax.random.randint(k_ids, (BATCH, SEQLEN), 0, VOCAB, dtype=jnp.int64) if jax.config.jax_enable_x64 else jax.random.randint(k_ids, (BATCH, SEQLEN), 0, VOCAB)
    word_embeddings = jax.random.normal(k_tab, (VOCAB, D_MODEL), dtype=jnp.float32) * 0.02
    return {"input_ids": input_ids, "word_embeddings": word_embeddings}


def reference(input_ids, word_embeddings):
    # nn.Embedding forward: gather rows of the table by token id
    return jnp.take(word_embeddings, input_ids, axis=0)

if __name__ == "__main__":
    import jax
    _d = setup_inputs()
    print(jax.jit(kernel)(*tuple(_d.values())))

</pallas_src>

<mosaic_0001>
#map = affine_map<(d0, d1) -> (0, 0)>
module attributes {stable_mosaic.version = 14 : i64} {
  func.func @k(%arg0: i32, %arg1: i32, %arg2: memref<4x8192xi32, #tpu.memory_space<hbm>>, %arg3: memref<100000x1024xf32, #tpu.memory_space<hbm>>, %arg4: memref<32768x1024xf32, #tpu.memory_space<hbm>>, %arg5: memref<1024xi32, #tpu.memory_space<vmem>>, %arg6: memref<3x32x1024xf32, #tpu.memory_space<vmem>>, %arg7: memref<3x!tpu.dma_semaphore, #tpu.memory_space<semaphore_mem>>, %arg8: memref<3x!tpu.dma_semaphore, #tpu.memory_space<semaphore_mem>>) attributes {dimension_semantics = [#tpu.dimension_semantics<core_parallel>, #tpu.dimension_semantics<subcore_parallel>], iteration_bounds = array<i64: 2, 16>, scalar_prefetch = 0 : i64, scratch_operands = 4 : i64, tpu.core_type = #tpu.core_type<sc_vector_subcore>, window_params = [{transform_indices = #map}, {transform_indices = #map}, {transform_indices = #map}]} {
    %mul3A = arith.constant 2 : i32
    %mul3A_0 = arith.muli %arg1, %mul3A : i32
    %add3A = arith.addi %mul3A_0, %arg0 : i32
    %mul3A_1 = arith.constant 1024 : i32
    %mul3A_2 = arith.muli %add3A, %mul3A_1 : i32
    %jit3A = arith.constant 8 : i32
    %div3A = arith.divsi %add3A, %jit3A : i32
    %sign3A = arith.constant 0 : i32
    %sign3A_3 = arith.cmpi sgt, %add3A, %sign3A : i32
    %sign3A_4 = arith.extui %sign3A_3 : i1 to i32
    %sign3A_5 = arith.constant 0 : i32
    %sign3A_6 = arith.cmpi slt, %add3A, %sign3A_5 : i32
    %sign3A_7 = arith.extui %sign3A_6 : i1 to i32
    %sign3A_8 = arith.subi %sign3A_4, %sign3A_7 : i32
    %sign3A_9 = arith.constant 0 : i32
    %sign3A_10 = arith.cmpi sgt, %jit3A, %sign3A_9 : i32
    %sign3A_11 = arith.extui %sign3A_10 : i1 to i32
    %sign3A_12 = arith.constant 0 : i32
    %sign3A_13 = arith.cmpi slt, %jit3A, %sign3A_12 : i32
    %sign3A_14 = arith.extui %sign3A_13 : i1 to i32
    %sign3A_15 = arith.subi %sign3A_11, %sign3A_14 : i32
    %ne3A = arith.cmpi ne, %sign3A_8, %sign3A_15 : i32
    %rem3A = arith.remsi %add3A, %jit3A : i32
    %ne3A_16 = arith.constant 0 : i32
    %ne3A_17 = arith.cmpi ne, %rem3A, %ne3A_16 : i32
    %and3A = arith.andi %ne3A, %ne3A_17 : i1
    %sub3A = arith.constant 1 : i32
    %sub3A_18 = arith.subi %div3A, %sub3A : i32
    %select_n3A = arith.select %and3A, %sub3A_18, %div3A : i32
    %jit3A_19 = arith.constant 8 : i32
    %eq3A = arith.constant 0 : i32
    %eq3A_20 = arith.cmpi eq, %jit3A_19, %eq3A : i32
    %jit3A_21 = arith.constant 1 : i32
    %select_n3A_22 = arith.select %eq3A_20, %jit3A_21, %jit3A_19 : i32
    %rem3A_23 = arith.remsi %add3A, %select_n3A_22 : i32
    %ne3A_24 = arith.constant 0 : i32
    %ne3A_25 = arith.cmpi ne, %rem3A_23, %ne3A_24 : i32
    %lt3A = arith.constant 0 : i32
    %lt3A_26 = arith.cmpi slt, %rem3A_23, %lt3A : i32
    %lt3A_27 = arith.constant 0 : i32
    %lt3A_28 = arith.cmpi slt, %select_n3A_22, %lt3A_27 : i32
    %ne3A_29 = arith.xori %lt3A_26, %lt3A_28 : i1
    %and3A_30 = arith.andi %ne3A_29, %ne3A_25 : i1
    %add3A_31 = arith.addi %rem3A_23, %select_n3A_22 : i32
    %select_n3A_32 = arith.select %and3A_30, %add3A_31, %rem3A_23 : i32
    %mul3A_33 = arith.constant 1024 : i32
    %mul3A_34 = arith.muli %select_n3A_32, %mul3A_33 : i32
    "tpu.region"() ({
      %run_scoped3A = tpu.sem_alloc : memref<!tpu.dma_semaphore, #tpu.memory_space<semaphore_mem>>
      %dma_start3A_363 = tpu.memref_slice %arg2[%select_n3A, %mul3A_34] : memref<4x8192xi32, #tpu.memory_space<hbm>> -> memref<1x1024xi32, #tpu.memory_space<hbm>>
      %dma_start3A_364 = tpu.memref_squeeze %dma_start3A_363 : memref<1x1024xi32, #tpu.memory_space<hbm>> -> memref<1024xi32, #tpu.memory_space<hbm>>
      %dma_start3A_365 = tpu.memref_slice %arg2[%select_n3A, %mul3A_34] : memref<4x8192xi32, #tpu.memory_space<hbm>> -> memref<1x1024xi32, #tpu.memory_space<hbm>>
      %dma_start3A_366 = tpu.memref_squeeze %dma_start3A_365 : memref<1x1024xi32, #tpu.memory_space<hbm>> -> memref<1024xi32, #tpu.memory_space<hbm>>
      tpu.enqueue_dma source(%dma_start3A_366 : memref<1024xi32, #tpu.memory_space<hbm>>) target(%arg5 : memref<1024xi32, #tpu.memory_space<vmem>>) target_semaphore(%run_scoped3A : memref<!tpu.dma_semaphore, #tpu.memory_space<semaphore_mem>>)
      %dma_wait3A_367 = tpu.memref_slice %arg2[%select_n3A, %mul3A_34] : memref<4x8192xi32, #tpu.memory_space<hbm>> -> memref<1x1024xi32, #tpu.memory_space<hbm>>
      %dma_wait3A_368 = tpu.memref_squeeze %dma_wait3A_367 : memref<1x1024xi32, #tpu.memory_space<hbm>> -> memref<1024xi32, #tpu.memory_space<hbm>>
      %dma_wait3A_369 = tpu.memref_slice %arg2[%select_n3A, %mul3A_34] : memref<4x8192xi32, #tpu.memory_space<hbm>> -> memref<1x1024xi32, #tpu.memory_space<hbm>>
      %dma_wait3A_370 = tpu.memref_squeeze %dma_wait3A_369 : memref<1x1024xi32, #tpu.memory_space<hbm>> -> memref<1024xi32, #tpu.memory_space<hbm>>
      tpu.wait_dma2 semaphore(%run_scoped3A : memref<!tpu.dma_semaphore, #tpu.memory_space<semaphore_mem>>) src(%dma_wait3A_370 : memref<1024xi32, #tpu.memory_space<hbm>>) dst(%arg5 : memref<1024xi32, #tpu.memory_space<vmem>>)
      tpu.yield
    }) : () -> ()
    %dma_start3A = arith.constant 0 : i32
    %dma_start3A_35 = arith.constant 0 : i32
    %dma_start3A_36 = arith.constant 0 : i32
    %dma_start3A_37 = arith.constant 0 : i32
    %dma_start3A_38 = tpu.memref_slice %arg6[%dma_start3A, %dma_start3A_36, %dma_start3A_37] : memref<3x32x1024xf32, #tpu.memory_space<vmem>> -> memref<1x32x1024xf32, #tpu.memory_space<vmem>>
    %dma_start3A_39 = tpu.memref_squeeze %dma_start3A_38 : memref<1x32x1024xf32, #tpu.memory_space<vmem>> -> memref<32x1024xf32, #tpu.memory_space<vmem>>
    %dma_start3A_40 = arith.constant 0 : i32
    %dma_start3A_41 = tpu.memref_slice %arg5[%dma_start3A_40] : memref<1024xi32, #tpu.memory_space<vmem>> -> memref<32xi32, #tpu.memory_space<vmem>>
    %dma_start3A_42 = arith.constant 0 : i32
    %dma_start3A_43 = arith.constant 0 : i32
    %dma_start3A_44 = tpu.memref_slice %arg3[%dma_start3A_42, %dma_start3A_43] : memref<100000x1024xf32, #tpu.memory_space<hbm>> -> memref<100000x1024xf32, #tpu.memory_space<hbm>>
    %dma_start3A_45 = tpu.memref_slice %arg7[%dma_start3A_35] : memref<3x!tpu.dma_semaphore, #tpu.memory_space<semaphore_mem>> -> memref<1x!tpu.dma_semaphore, #tpu.memory_space<semaphore_mem>>
    %dma_start3A_46 = tpu.memref_squeeze %dma_start3A_45 : memref<1x!tpu.dma_semaphore, #tpu.memory_space<semaphore_mem>> -> memref<!tpu.dma_semaphore, #tpu.memory_space<semaphore_mem>>
    tpu.enqueue_indirect_dma source(%dma_start3A_44 : memref<100000x1024xf32, #tpu.memory_space<hbm>>) target(%dma_start3A_39 : memref<32x1024xf32, #tpu.memory_space<vmem>>) offsets(%dma_start3A_41 : memref<32xi32, #tpu.memory_space<vmem>>) semaphore(%dma_start3A_46 : memref<!tpu.dma_semaphore, #tpu.memory_space<semaphore_mem>>)
    %dma_start3A_47 = arith.constant 1 : i32
    %dma_start3A_48 = arith.constant 1 : i32
    %dma_start3A_49 = arith.constant 0 : i32
    %dma_start3A_50 = arith.constant 0 : i32
    %dma_start3A_51 = tpu.memref_slice %arg6[%dma_start3A_47, %dma_start3A_49, %dma_start3A_50] : memref<3x32x1024xf32, #tpu.memory_space<vmem>> -> memref<1x32x1024xf32, #tpu.memory_space<vmem>>
    %dma_start3A_52 = tpu.memref_squeeze %dma_start3A_51 : memref<1x32x1024xf32, #tpu.memory_space<vmem>> -> memref<32x1024xf32, #tpu.memory_space<vmem>>
    %dma_start3A_53 = arith.constant 32 : i32
    %dma_start3A_54 = tpu.memref_slice %arg5[%dma_start3A_53] : memref<1024xi32, #tpu.memory_space<vmem>> -> memref<32xi32, #tpu.memory_space<vmem>>
    %dma_start3A_55 = arith.constant 0 : i32
    %dma_start3A_56 = arith.constant 0 : i32
    %dma_start3A_57 = tpu.memref_slice %arg3[%dma_start3A_55, %dma_start3A_56] : memref<100000x1024xf32, #tpu.memory_space<hbm>> -> memref<100000x1024xf32, #tpu.memory_space<hbm>>
    %dma_start3A_58 = tpu.memref_slice %arg7[%dma_start3A_48] : memref<3x!tpu.dma_semaphore, #tpu.memory_space<semaphore_mem>> -> memref<1x!tpu.dma_semaphore, #tpu.memory_space<semaphore_mem>>
    %dma_start3A_59 = tpu.memref_squeeze %dma_start3A_58 : memref<1x!tpu.dma_semaphore, #tpu.memory_space<semaphore_mem>> -> memref<!tpu.dma_semaphore, #tpu.memory_space<semaphore_mem>>
    tpu.enqueue_indirect_dma source(%dma_start3A_57 : memref<100000x1024xf32, #tpu.memory_space<hbm>>) target(%dma_start3A_52 : memref<32x1024xf32, #tpu.memory_space<vmem>>) offsets(%dma_start3A_54 : memref<32xi32, #tpu.memory_space<vmem>>) semaphore(%dma_start3A_59 : memref<!tpu.dma_semaphore, #tpu.memory_space<semaphore_mem>>)
    %dma_wait3A = arith.constant 0 : i32
    %dma_wait3A_60 = arith.constant 0 : i32
    %dma_wait3A_61 = arith.constant 0 : i32
    %dma_wait3A_62 = arith.constant 0 : i32
    %dma_wait3A_63 = tpu.memref_slice %arg6[%dma_wait3A, %dma_wait3A_61, %dma_wait3A_62] : memref<3x32x1024xf32, #tpu.memory_space<vmem>> -> memref<1x32x1024xf32, #tpu.memory_space<vmem>>
    %dma_wait3A_64 = tpu.memref_squeeze %dma_wait3A_63 : memref<1x32x1024xf32, #tpu.memory_space<vmem>> -> memref<32x1024xf32, #tpu.memory_space<vmem>>
    %dma_wait3A_65 = arith.constant 0 : i32
    %dma_wait3A_66 = arith.constant 0 : i32
    %dma_wait3A_67 = tpu.memref_slice %arg3[%dma_wait3A_65, %dma_wait3A_66] : memref<100000x1024xf32, #tpu.memory_space<hbm>> -> memref<32x1024xf32, #tpu.memory_space<hbm>>
    %dma_wait3A_68 = tpu.memref_slice %arg7[%dma_wait3A_60] : memref<3x!tpu.dma_semaphore, #tpu.memory_space<semaphore_mem>> -> memref<1x!tpu.dma_semaphore, #tpu.memory_space<semaphore_mem>>
    %dma_wait3A_69 = tpu.memref_squeeze %dma_wait3A_68 : memref<1x!tpu.dma_semaphore, #tpu.memory_space<semaphore_mem>> -> memref<!tpu.dma_semaphore, #tpu.memory_space<semaphore_mem>>
    %dma_wait3A_70 = arith.constant 0 : i32
    %dma_wait3A_71 = arith.constant 0 : i32
    %dma_wait3A_72 = tpu.memref_slice %arg6[%dma_wait3A, %dma_wait3A_70, %dma_wait3A_71] : memref<3x32x1024xf32, #tpu.memory_space<vmem>> -> memref<1x32x1024xf32, #tpu.memory_space<vmem>>
    %dma_wait3A_73 = tpu.memref_squeeze %dma_wait3A_72 : memref<1x32x1024xf32, #tpu.memory_space<vmem>> -> memref<32x1024xf32, #tpu.memory_space<vmem>>
    %dma_wait3A_74 = arith.constant 0 : i32
    %dma_wait3A_75 = arith.constant 0 : i32
    %dma_wait3A_76 = tpu.memref_slice %arg3[%dma_wait3A_74, %dma_wait3A_75] : memref<100000x1024xf32, #tpu.memory_space<hbm>> -> memref<32x1024xf32, #tpu.memory_space<hbm>>
    tpu.wait_dma2 semaphore(%dma_wait3A_69 : memref<!tpu.dma_semaphore, #tpu.memory_space<semaphore_mem>>) src(%dma_wait3A_76 : memref<32x1024xf32, #tpu.memory_space<hbm>>) dst(%dma_wait3A_73 : memref<32x1024xf32, #tpu.memory_space<vmem>>)
    %add3A_77 = arith.constant 0 : i32
    %add3A_78 = arith.addi %mul3A_2, %add3A_77 : i32
    %dma_start3A_79 = arith.constant 0 : i32
    %dma_start3A_80 = arith.constant 0 : i32
    %dma_start3A_81 = arith.constant 0 : i32
    %dma_start3A_82 = arith.constant 0 : i32
    %dma_start3A_83 = tpu.memref_slice %arg6[%dma_start3A_79, %dma_start3A_81, %dma_start3A_82] : memref<3x32x1024xf32, #tpu.memory_space<vmem>> -> memref<1x32x1024xf32, #tpu.memory_space<vmem>>
    %dma_start3A_84 = tpu.memref_squeeze %dma_start3A_83 : memref<1x32x1024xf32, #tpu.memory_space<vmem>> -> memref<32x1024xf32, #tpu.memory_space<vmem>>
    %dma_start3A_85 = arith.constant 0 : i32
    %dma_start3A_86 = tpu.memref_slice %arg4[%add3A_78, %dma_start3A_85] : memref<32768x1024xf32, #tpu.memory_space<hbm>> -> memref<32x1024xf32, #tpu.memory_space<hbm>>
    %dma_start3A_87 = tpu.memref_slice %arg8[%dma_start3A_80] : memref<3x!tpu.dma_semaphore, #tpu.memory_space<semaphore_mem>> -> memref<1x!tpu.dma_semaphore, #tpu.memory_space<semaphore_mem>>
    %dma_start3A_88 = tpu.memref_squeeze %dma_start3A_87 : memref<1x!tpu.dma_semaphore, #tpu.memory_space<semaphore_mem>> -> memref<!tpu.dma_semaphore, #tpu.memory_space<semaphore_mem>>
    %dma_start3A_89 = arith.constant 0 : i32
    %dma_start3A_90 = tpu.memref_slice %arg4[%add3A_78, %dma_start3A_89] : memref<32768x1024xf32, #tpu.memory_space<hbm>> -> memref<32x1024xf32, #tpu.memory_space<hbm>>
    %dma_start3A_91 = arith.constant 0 : i32
    %dma_start3A_92 = arith.constant 0 : i32
    %dma_start3A_93 = tpu.memref_slice %arg6[%dma_start3A_79, %dma_start3A_91, %dma_start3A_92] : memref<3x32x1024xf32, #tpu.memory_space<vmem>> -> memref<1x32x1024xf32, #tpu.memory_space<vmem>>
    %dma_start3A_94 = tpu.memref_squeeze %dma_start3A_93 : memref<1x32x1024xf32, #tpu.memory_space<vmem>> -> memref<32x1024xf32, #tpu.memory_space<vmem>>
    tpu.enqueue_dma source(%dma_start3A_94 : memref<32x1024xf32, #tpu.memory_space<vmem>>) target(%dma_start3A_90 : memref<32x1024xf32, #tpu.memory_space<hbm>>) target_semaphore(%dma_start3A_88 : memref<!tpu.dma_semaphore, #tpu.memory_space<semaphore_mem>>)
    %dma_start3A_95 = arith.constant 2 : i32
    %dma_start3A_96 = arith.constant 2 : i32
    %dma_start3A_97 = arith.constant 0 : i32
    %dma_start3A_98 = arith.constant 0 : i32
    %dma_start3A_99 = tpu.memref_slice %arg6[%dma_start3A_95, %dma_start3A_97, %dma_start3A_98] : memref<3x32x1024xf32, #tpu.memory_space<vmem>> -> memref<1x32x1024xf32, #tpu.memory_space<vmem>>
    %dma_start3A_100 = tpu.memref_squeeze %dma_start3A_99 : memref<1x32x1024xf32, #tpu.memory_space<vmem>> -> memref<32x1024xf32, #tpu.memory_space<vmem>>
    %dma_start3A_101 = arith.constant 64 : i32
    %dma_start3A_102 = tpu.memref_slice %arg5[%dma_start3A_101] : memref<1024xi32, #tpu.memory_space<vmem>> -> memref<32xi32, #tpu.memory_space<vmem>>
    %dma_start3A_103 = arith.constant 0 : i32
    %dma_start3A_104 = arith.constant 0 : i32
    %dma_start3A_105 = tpu.memref_slice %arg3[%dma_start3A_103, %dma_start3A_104] : memref<100000x1024xf32, #tpu.memory_space<hbm>> -> memref<100000x1024xf32, #tpu.memory_space<hbm>>
    %dma_start3A_106 = tpu.memref_slice %arg7[%dma_start3A_96] : memref<3x!tpu.dma_semaphore, #tpu.memory_space<semaphore_mem>> -> memref<1x!tpu.dma_semaphore, #tpu.memory_space<semaphore_mem>>
    %dma_start3A_107 = tpu.memref_squeeze %dma_start3A_106 : memref<1x!tpu.dma_semaphore, #tpu.memory_space<semaphore_mem>> -> memref<!tpu.dma_semaphore, #tpu.memory_space<semaphore_mem>>
    tpu.enqueue_indirect_dma source(%dma_start3A_105 : memref<100000x1024xf32, #tpu.memory_space<hbm>>) target(%dma_start3A_100 : memref<32x1024xf32, #tpu.memory_space<vmem>>) offsets(%dma_start3A_102 : memref<32xi32, #tpu.memory_space<vmem>>) semaphore(%dma_start3A_107 : memref<!tpu.dma_semaphore, #tpu.memory_space<semaphore_mem>>)
    %scan3A = arith.constant 0 : i32
    %scan3A_108 = arith.constant 0 : i32
    %scan3A_109 = arith.constant 9 : i32
    %scan3A_110 = arith.addi %scan3A_108, %scan3A_109 : i32
    %scan3A_111 = arith.constant 1 : i32
    scf.for %scan3A_363 = %scan3A_108 to %scan3A_110 step %scan3A_111  : i32 {
      %mul3A_364 = arith.constant 3 : i32
      %mul3A_365 = arith.muli %mul3A_364, %scan3A_363 : i32
      %add3A_366 = arith.constant 1 : i32
      %add3A_367 = arith.addi %mul3A_365, %add3A_366 : i32
      %add3A_368 = arith.constant 0 : i32
      %add3A_369 = arith.addi %add3A_367, %add3A_368 : i32
      %dma_wait3A_370 = arith.constant 1 : i32
      %dma_wait3A_371 = arith.constant 1 : i32
      %dma_wait3A_372 = arith.constant 0 : i32
      %dma_wait3A_373 = arith.constant 0 : i32
      %dma_wait3A_374 = tpu.memref_slice %arg6[%dma_wait3A_370, %dma_wait3A_372, %dma_wait3A_373] : memref<3x32x1024xf32, #tpu.memory_space<vmem>> -> memref<1x32x1024xf32, #tpu.memory_space<vmem>>
      %dma_wait3A_375 = tpu.memref_squeeze %dma_wait3A_374 : memref<1x32x1024xf32, #tpu.memory_space<vmem>> -> memref<32x1024xf32, #tpu.memory_space<vmem>>
      %dma_wait3A_376 = arith.constant 0 : i32
      %dma_wait3A_377 = arith.constant 0 : i32
      %dma_wait3A_378 = tpu.memref_slice %arg3[%dma_wait3A_376, %dma_wait3A_377] : memref<100000x1024xf32, #tpu.memory_space<hbm>> -> memref<32x1024xf32, #tpu.memory_space<hbm>>
      %dma_wait3A_379 = tpu.memref_slice %arg7[%dma_wait3A_371] : memref<3x!tpu.dma_semaphore, #tpu.memory_space<semaphore_mem>> -> memref<1x!tpu.dma_semaphore, #tpu.memory_space<semaphore_mem>>
      %dma_wait3A_380 = tpu.memref_squeeze %dma_wait3A_379 : memref<1x!tpu.dma_semaphore, #tpu.memory_space<semaphore_mem>> -> memref<!tpu.dma_semaphore, #tpu.memory_space<semaphore_mem>>
      %dma_wait3A_381 = arith.constant 0 : i32
      %dma_wait3A_382 = arith.constant 0 : i32
      %dma_wait3A_383 = tpu.memref_slice %arg6[%dma_wait3A_370, %dma_wait3A_381, %dma_wait3A_382] : memref<3x32x1024xf32, #tpu.memory_space<vmem>> -> memref<1x32x1024xf32, #tpu.memory_space<vmem>>
      %dma_wait3A_384 = tpu.memref_squeeze %dma_wait3A_383 : memref<1x32x1024xf32, #tpu.memory_space<vmem>> -> memref<32x1024xf32, #tpu.memory_space<vmem>>
      %dma_wait3A_385 = arith.constant 0 : i32
      %dma_wait3A_386 = arith.constant 0 : i32
      %dma_wait3A_387 = tpu.memref_slice %arg3[%dma_wait3A_385, %dma_wait3A_386] : memref<100000x1024xf32, #tpu.memory_space<hbm>> -> memref<32x1024xf32, #tpu.memory_space<hbm>>
      tpu.wait_dma2 semaphore(%dma_wait3A_380 : memref<!tpu.dma_semaphore, #tpu.memory_space<semaphore_mem>>) src(%dma_wait3A_387 : memref<32x1024xf32, #tpu.memory_space<hbm>>) dst(%dma_wait3A_384 : memref<32x1024xf32, #tpu.memory_space<vmem>>)
      %mul3A_388 = arith.constant 32 : i32
      %mul3A_389 = arith.muli %add3A_369, %mul3A_388 : i32
      %add3A_390 = arith.addi %mul3A_2, %mul3A_389 : i32
      %dma_start3A_391 = arith.constant 1 : i32
      %dma_start3A_392 = arith.constant 1 : i32
      %dma_start3A_393 = arith.constant 0 : i32
      %dma_start3A_394 = arith.constant 0 : i32
      %dma_start3A_395 = tpu.memref_slice %arg6[%dma_start3A_391, %dma_start3A_393, %dma_start3A_394] : memref<3x32x1024xf32, #tpu.memory_space<vmem>> -> memref<1x32x1024xf32, #tpu.memory_space<vmem>>
      %dma_start3A_396 = tpu.memref_squeeze %dma_start3A_395 : memref<1x32x1024xf32, #tpu.memory_space<vmem>> -> memref<32x1024xf32, #tpu.memory_space<vmem>>
      %dma_start3A_397 = arith.constant 0 : i32
      %dma_start3A_398 = tpu.memref_slice %arg4[%add3A_390, %dma_start3A_397] : memref<32768x1024xf32, #tpu.memory_space<hbm>> -> memref<32x1024xf32, #tpu.memory_space<hbm>>
      %dma_start3A_399 = tpu.memref_slice %arg8[%dma_start3A_392] : memref<3x!tpu.dma_semaphore, #tpu.memory_space<semaphore_mem>> -> memref<1x!tpu.dma_semaphore, #tpu.memory_space<semaphore_mem>>
      %dma_start3A_400 = tpu.memref_squeeze %dma_start3A_399 : memref<1x!tpu.dma_semaphore, #tpu.memory_space<semaphore_mem>> -> memref<!tpu.dma_semaphore, #tpu.memory_space<semaphore_mem>>
      %dma_start3A_401 = arith.constant 0 : i32
      %dma_start3A_402 = tpu.memref_slice %arg4[%add3A_390, %dma_start3A_401] : memref<32768x1024xf32, #tpu.memory_space<hbm>> -> memref<32x1024xf32, #tpu.memory_space<hbm>>
      %dma_start3A_403 = arith.constant 0 : i32
      %dma_start3A_404 = arith.constant 0 : i32
      %dma_start3A_405 = tpu.memref_slice %arg6[%dma_start3A_391, %dma_start3A_403, %dma_start3A_404] : memref<3x32x1024xf32, #tpu.memory_space<vmem>> -> memref<1x32x1024xf32, #tpu.memory_space<vmem>>
      %dma_start3A_406 = tpu.memref_squeeze %dma_start3A_405 : memref<1x32x1024xf32, #tpu.memory_space<vmem>> -> memref<32x1024xf32, #tpu.memory_space<vmem>>
      tpu.enqueue_dma source(%dma_start3A_406 : memref<32x1024xf32, #tpu.memory_space<vmem>>) target(%dma_start3A_402 : memref<32x1024xf32, #tpu.memory_space<hbm>>) target_semaphore(%dma_start3A_400 : memref<!tpu.dma_semaphore, #tpu.memory_space<semaphore_mem>>)
      %dma_wait3A_407 = arith.constant 0 : i32
      %dma_wait3A_408 = arith.constant 0 : i32
      %dma_wait3A_409 = arith.constant 0 : i32
      %dma_wait3A_410 = arith.constant 0 : i32
      %dma_wait3A_411 = tpu.memref_slice %arg6[%dma_wait3A_407, %dma_wait3A_409, %dma_wait3A_410] : memref<3x32x1024xf32, #tpu.memory_space<vmem>> -> memref<1x32x1024xf32, #tpu.memory_space<vmem>>
      %dma_wait3A_412 = tpu.memref_squeeze %dma_wait3A_411 : memref<1x32x1024xf32, #tpu.memory_space<vmem>> -> memref<32x1024xf32, #tpu.memory_space<vmem>>
      %dma_wait3A_413 = arith.constant 0 : i32
      %dma_wait3A_414 = tpu.memref_slice %arg4[%mul3A_2, %dma_wait3A_413] : memref<32768x1024xf32, #tpu.memory_space<hbm>> -> memref<32x1024xf32, #tpu.memory_space<hbm>>
      %dma_wait3A_415 = tpu.memref_slice %arg8[%dma_wait3A_408] : memref<3x!tpu.dma_semaphore, #tpu.memory_space<semaphore_mem>> -> memref<1x!tpu.dma_semaphore, #tpu.memory_space<semaphore_mem>>
      %dma_wait3A_416 = tpu.memref_squeeze %dma_wait3A_415 : memref<1x!tpu.dma_semaphore, #tpu.memory_space<semaphore_mem>> -> memref<!tpu.dma_semaphore, #tpu.memory_space<semaphore_mem>>
      %dma_wait3A_417 = arith.constant 0 : i32
      %dma_wait3A_418 = tpu.memref_slice %arg4[%mul3A_2, %dma_wait3A_417] : memref<32768x1024xf32, #tpu.memory_space<hbm>> -> memref<32x1024xf32, #tpu.memory_space<hbm>>
      %dma_wait3A_419 = arith.constant 0 : i32
      %dma_wait3A_420 = arith.constant 0 : i32
      %dma_wait3A_421 = tpu.memref_slice %arg6[%dma_wait3A_407, %dma_wait3A_419, %dma_wait3A_420] : memref<3x32x1024xf32, #tpu.memory_space<vmem>> -> memref<1x32x1024xf32, #tpu.memory_space<vmem>>
      %dma_wait3A_422 = tpu.memref_squeeze %dma_wait3A_421 : memref<1x32x1024xf32, #tpu.memory_space<vmem>> -> memref<32x1024xf32, #tpu.memory_space<vmem>>
      tpu.wait_dma2 semaphore(%dma_wait3A_416 : memref<!tpu.dma_semaphore, #tpu.memory_space<semaphore_mem>>) src(%dma_wait3A_422 : memref<32x1024xf32, #tpu.memory_space<vmem>>) dst(%dma_wait3A_418 : memref<32x1024xf32, #tpu.memory_space<hbm>>)
      %add3A_423 = arith.constant 2 : i32
      %add3A_424 = arith.addi %add3A_369, %add3A_423 : i32
      %mul3A_425 = arith.constant 32 : i32
      %mul3A_426 = arith.muli %add3A_424, %mul3A_425 : i32
      %dma_start3A_427 = arith.constant 0 : i32
      %dma_start3A_428 = arith.constant 0 : i32
      %dma_start3A_429 = arith.constant 0 : i32
      %dma_start3A_430 = arith.constant 0 : i32
      %dma_start3A_431 = tpu.memref_slice %arg6[%dma_start3A_427, %dma_start3A_429, %dma_start3A_430] : memref<3x32x1024xf32, #tpu.memory_space<vmem>> -> memref<1x32x1024xf32, #tpu.memory_space<vmem>>
      %dma_start3A_432 = tpu.memref_squeeze %dma_start3A_431 : memref<1x32x1024xf32, #tpu.memory_space<vmem>> -> memref<32x1024xf32, #tpu.memory_space<vmem>>
      %dma_start3A_433 = tpu.memref_slice %arg5[%mul3A_426] : memref<1024xi32, #tpu.memory_space<vmem>> -> memref<32xi32, #tpu.memory_space<vmem>>
      %dma_start3A_434 = arith.constant 0 : i32
      %dma_start3A_435 = arith.constant 0 : i32
      %dma_start3A_436 = tpu.memref_slice %arg3[%dma_start3A_434, %dma_start3A_435] : memref<100000x1024xf32, #tpu.memory_space<hbm>> -> memref<100000x1024xf32, #tpu.memory_space<hbm>>
      %dma_start3A_437 = tpu.memref_slice %arg7[%dma_start3A_428] : memref<3x!tpu.dma_semaphore, #tpu.memory_space<semaphore_mem>> -> memref<1x!tpu.dma_semaphore, #tpu.memory_space<semaphore_mem>>
      %dma_start3A_438 = tpu.memref_squeeze %dma_start3A_437 : memref<1x!tpu.dma_semaphore, #tpu.memory_space<semaphore_mem>> -> memref<!tpu.dma_semaphore, #tpu.memory_space<semaphore_mem>>
      tpu.enqueue_indirect_dma source(%dma_start3A_436 : memref<100000x1024xf32, #tpu.memory_space<hbm>>) target(%dma_start3A_432 : memref<32x1024xf32, #tpu.memory_space<vmem>>) offsets(%dma_start3A_433 : memref<32xi32, #tpu.memory_space<vmem>>) semaphore(%dma_start3A_438 : memref<!tpu.dma_semaphore, #tpu.memory_space<semaphore_mem>>)
      %mul3A_439 = arith.constant 3 : i32
      %mul3A_440 = arith.muli %mul3A_439, %scan3A_363 : i32
      %add3A_441 = arith.constant 1 : i32
      %add3A_442 = arith.addi %mul3A_440, %add3A_441 : i32
      %add3A_443 = arith.constant 1 : i32
      %add3A_444 = arith.addi %add3A_442, %add3A_443 : i32
      %dma_wait3A_445 = arith.constant 2 : i32
      %dma_wait3A_446 = arith.constant 2 : i32
      %dma_wait3A_447 = arith.constant 0 : i32
      %dma_wait3A_448 = arith.constant 0 : i32
      %dma_wait3A_449 = tpu.memref_slice %arg6[%dma_wait3A_445, %dma_wait3A_447, %dma_wait3A_448] : memref<3x32x1024xf32, #tpu.memory_space<vmem>> -> memref<1x32x1024xf32, #tpu.memory_space<vmem>>
      %dma_wait3A_450 = tpu.memref_squeeze %dma_wait3A_449 : memref<1x32x1024xf32, #tpu.memory_space<vmem>> -> memref<32x1024xf32, #tpu.memory_space<vmem>>
      %dma_wait3A_451 = arith.constant 0 : i32
      %dma_wait3A_452 = arith.constant 0 : i32
      %dma_wait3A_453 = tpu.memref_slice %arg3[%dma_wait3A_451, %dma_wait3A_452] : memref<100000x1024xf32, #tpu.memory_space<hbm>> -> memref<32x1024xf32, #tpu.memory_space<hbm>>
      %dma_wait3A_454 = tpu.memref_slice %arg7[%dma_wait3A_446] : memref<3x!tpu.dma_semaphore, #tpu.memory_space<semaphore_mem>> -> memref<1x!tpu.dma_semaphore, #tpu.memory_space<semaphore_mem>>
      %dma_wait3A_455 = tpu.memref_squeeze %dma_wait3A_454 : memref<1x!tpu.dma_semaphore, #tpu.memory_space<semaphore_mem>> -> memref<!tpu.dma_semaphore, #tpu.memory_space<semaphore_mem>>
      %dma_wait3A_456 = arith.constant 0 : i32
      %dma_wait3A_457 = arith.constant 0 : i32
      %dma_wait3A_458 = tpu.memref_slice %arg6[%dma_wait3A_445, %dma_wait3A_456, %dma_wait3A_457] : memref<3x32x1024xf32, #tpu.memory_space<vmem>> -> memref<1x32x1024xf32, #tpu.memory_space<vmem>>
      %dma_wait3A_459 = tpu.memref_squeeze %dma_wait3A_458 : memref<1x32x1024xf32, #tpu.memory_space<vmem>> -> memref<32x1024xf32, #tpu.memory_space<vmem>>
      %dma_wait3A_460 = arith.constant 0 : i32
      %dma_wait3A_461 = arith.constant 0 : i32
      %dma_wait3A_462 = tpu.memref_slice %arg3[%dma_wait3A_460, %dma_wait3A_461] : memref<100000x1024xf32, #tpu.memory_space<hbm>> -> memref<32x1024xf32, #tpu.memory_space<hbm>>
      tpu.wait_dma2 semaphore(%dma_wait3A_455 : memref<!tpu.dma_semaphore, #tpu.memory_space<semaphore_mem>>) src(%dma_wait3A_462 : memref<32x1024xf32, #tpu.memory_space<hbm>>) dst(%dma_wait3A_459 : memref<32x1024xf32, #tpu.memory_space<vmem>>)
      %mul3A_463 = arith.constant 32 : i32
      %mul3A_464 = arith.muli %add3A_444, %mul3A_463 : i32
      %add3A_465 = arith.addi %mul3A_2, %mul3A_464 : i32
      %dma_start3A_466 = arith.constant 2 : i32
      %dma_start3A_467 = arith.constant 2 : i32
      %dma_start3A_468 = arith.constant 0 : i32
      %dma_start3A_469 = arith.constant 0 : i32
      %dma_start3A_470 = tpu.memref_slice %arg6[%dma_start3A_466, %dma_start3A_468, %dma_start3A_469] : memref<3x32x1024xf32, #tpu.memory_space<vmem>> -> memref<1x32x1024xf32, #tpu.memory_space<vmem>>
      %dma_start3A_471 = tpu.memref_squeeze %dma_start3A_470 : memref<1x32x1024xf32, #tpu.memory_space<vmem>> -> memref<32x1024xf32, #tpu.memory_space<vmem>>
      %dma_start3A_472 = arith.constant 0 : i32
      %dma_start3A_473 = tpu.memref_slice %arg4[%add3A_465, %dma_start3A_472] : memref<32768x1024xf32, #tpu.memory_space<hbm>> -> memref<32x1024xf32, #tpu.memory_space<hbm>>
      %dma_start3A_474 = tpu.memref_slice %arg8[%dma_start3A_467] : memref<3x!tpu.dma_semaphore, #tpu.memory_space<semaphore_mem>> -> memref<1x!tpu.dma_semaphore, #tpu.memory_space<semaphore_mem>>
      %dma_start3A_475 = tpu.memref_squeeze %dma_start3A_474 : memref<1x!tpu.dma_semaphore, #tpu.memory_space<semaphore_mem>> -> memref<!tpu.dma_semaphore, #tpu.memory_space<semaphore_mem>>
      %dma_start3A_476 = arith.constant 0 : i32
      %dma_start3A_477 = tpu.memref_slice %arg4[%add3A_465, %dma_start3A_476] : memref<32768x1024xf32, #tpu.memory_space<hbm>> -> memref<32x1024xf32, #tpu.memory_space<hbm>>
      %dma_start3A_478 = arith.constant 0 : i32
      %dma_start3A_479 = arith.constant 0 : i32
      %dma_start3A_480 = tpu.memref_slice %arg6[%dma_start3A_466, %dma_start3A_478, %dma_start3A_479] : memref<3x32x1024xf32, #tpu.memory_space<vmem>> -> memref<1x32x1024xf32, #tpu.memory_space<vmem>>
      %dma_start3A_481 = tpu.memref_squeeze %dma_start3A_480 : memref<1x32x1024xf32, #tpu.memory_space<vmem>> -> memref<32x1024xf32, #tpu.memory_space<vmem>>
      tpu.enqueue_dma source(%dma_start3A_481 : memref<32x1024xf32, #tpu.memory_space<vmem>>) target(%dma_start3A_477 : memref<32x1024xf32, #tpu.memory_space<hbm>>) target_semaphore(%dma_start3A_475 : memref<!tpu.dma_semaphore, #tpu.memory_space<semaphore_mem>>)
      %dma_wait3A_482 = arith.constant 1 : i32
      %dma_wait3A_483 = arith.constant 1 : i32
      %dma_wait3A_484 = arith.constant 0 : i32
      %dma_wait3A_485 = arith.constant 0 : i32
      %dma_wait3A_486 = tpu.memref_slice %arg6[%dma_wait3A_482, %dma_wait3A_484, %dma_wait3A_485] : memref<3x32x1024xf32, #tpu.memory_space<vmem>> -> memref<1x32x1024xf32, #tpu.memory_space<vmem>>
      %dma_wait3A_487 = tpu.memref_squeeze %dma_wait3A_486 : memref<1x32x1024xf32, #tpu.memory_space<vmem>> -> memref<32x1024xf32, #tpu.memory_space<vmem>>
      %dma_wait3A_488 = arith.constant 0 : i32
      %dma_wait3A_489 = tpu.memref_slice %arg4[%mul3A_2, %dma_wait3A_488] : memref<32768x1024xf32, #tpu.memory_space<hbm>> -> memref<32x1024xf32, #tpu.memory_space<hbm>>
      %dma_wait3A_490 = tpu.memref_slice %arg8[%dma_wait3A_483] : memref<3x!tpu.dma_semaphore, #tpu.memory_space<semaphore_mem>> -> memref<1x!tpu.dma_semaphore, #tpu.memory_space<semaphore_mem>>
      %dma_wait3A_491 = tpu.memref_squeeze %dma_wait3A_490 : memref<1x!tpu.dma_semaphore, #tpu.memory_space<semaphore_mem>> -> memref<!tpu.dma_semaphore, #tpu.memory_space<semaphore_mem>>
      %dma_wait3A_492 = arith.constant 0 : i32
      %dma_wait3A_493 = tpu.memref_slice %arg4[%mul3A_2, %dma_wait3A_492] : memref<32768x1024xf32, #tpu.memory_space<hbm>> -> memref<32x1024xf32, #tpu.memory_space<hbm>>
      %dma_wait3A_494 = arith.constant 0 : i32
      %dma_wait3A_495 = arith.constant 0 : i32
      %dma_wait3A_496 = tpu.memref_slice %arg6[%dma_wait3A_482, %dma_wait3A_494, %dma_wait3A_495] : memref<3x32x1024xf32, #tpu.memory_space<vmem>> -> memref<1x32x1024xf32, #tpu.memory_space<vmem>>
      %dma_wait3A_497 = tpu.memref_squeeze %dma_wait3A_496 : memref<1x32x1024xf32, #tpu.memory_space<vmem>> -> memref<32x1024xf32, #tpu.memory_space<vmem>>
      tpu.wait_dma2 semaphore(%dma_wait3A_491 : memref<!tpu.dma_semaphore, #tpu.memory_space<semaphore_mem>>) src(%dma_wait3A_497 : memref<32x1024xf32, #tpu.memory_space<vmem>>) dst(%dma_wait3A_493 : memref<32x1024xf32, #tpu.memory_space<hbm>>)
      %add3A_498 = arith.constant 2 : i32
      %add3A_499 = arith.addi %add3A_444, %add3A_498 : i32
      %mul3A_500 = arith.constant 32 : i32
      %mul3A_501 = arith.muli %add3A_499, %mul3A_500 : i32
      %dma_start3A_502 = arith.constant 1 : i32
      %dma_start3A_503 = arith.constant 1 : i32
      %dma_start3A_504 = arith.constant 0 : i32
      %dma_start3A_505 = arith.constant 0 : i32
      %dma_start3A_506 = tpu.memref_slice %arg6[%dma_start3A_502, %dma_start3A_504, %dma_start3A_505] : memref<3x32x1024xf32, #tpu.memory_space<vmem>> -> memref<1x32x1024xf32, #tpu.memory_space<vmem>>
      %dma_start3A_507 = tpu.memref_squeeze %dma_start3A_506 : memref<1x32x1024xf32, #tpu.memory_space<vmem>> -> memref<32x1024xf32, #tpu.memory_space<vmem>>
      %dma_start3A_508 = tpu.memref_slice %arg5[%mul3A_501] : memref<1024xi32, #tpu.memory_space<vmem>> -> memref<32xi32, #tpu.memory_space<vmem>>
      %dma_start3A_509 = arith.constant 0 : i32
      %dma_start3A_510 = arith.constant 0 : i32
      %dma_start3A_511 = tpu.memref_slice %arg3[%dma_start3A_509, %dma_start3A_510] : memref<100000x1024xf32, #tpu.memory_space<hbm>> -> memref<100000x1024xf32, #tpu.memory_space<hbm>>
      %dma_start3A_512 = tpu.memref_slice %arg7[%dma_start3A_503] : memref<3x!tpu.dma_semaphore, #tpu.memory_space<semaphore_mem>> -> memref<1x!tpu.dma_semaphore, #tpu.memory_space<semaphore_mem>>
      %dma_start3A_513 = tpu.memref_squeeze %dma_start3A_512 : memref<1x!tpu.dma_semaphore, #tpu.memory_space<semaphore_mem>> -> memref<!tpu.dma_semaphore, #tpu.memory_space<semaphore_mem>>
      tpu.enqueue_indirect_dma source(%dma_start3A_511 : memref<100000x1024xf32, #tpu.memory_space<hbm>>) target(%dma_start3A_507 : memref<32x1024xf32, #tpu.memory_space<vmem>>) offsets(%dma_start3A_508 : memref<32xi32, #tpu.memory_space<vmem>>) semaphore(%dma_start3A_513 : memref<!tpu.dma_semaphore, #tpu.memory_space<semaphore_mem>>)
      %mul3A_514 = arith.constant 3 : i32
      %mul3A_515 = arith.muli %mul3A_514, %scan3A_363 : i32
      %add3A_516 = arith.constant 1 : i32
      %add3A_517 = arith.addi %mul3A_515, %add3A_516 : i32
      %add3A_518 = arith.constant 2 : i32
      %add3A_519 = arith.addi %add3A_517, %add3A_518 : i32
      %dma_wait3A_520 = arith.constant 0 : i32
      %dma_wait3A_521 = arith.constant 0 : i32
      %dma_wait3A_522 = arith.constant 0 : i32
      %dma_wait3A_523 = arith.constant 0 : i32
      %dma_wait3A_524 = tpu.memref_slice %arg6[%dma_wait3A_520, %dma_wait3A_522, %dma_wait3A_523] : memref<3x32x1024xf32, #tpu.memory_space<vmem>> -> memref<1x32x1024xf32, #tpu.memory_space<vmem>>
      %dma_wait3A_525 = tpu.memref_squeeze %dma_wait3A_524 : memref<1x32x1024xf32, #tpu.memory_space<vmem>> -> memref<32x1024xf32, #tpu.memory_space<vmem>>
      %dma_wait3A_526 = arith.constant 0 : i32
      %dma_wait3A_527 = arith.constant 0 : i32
      %dma_wait3A_528 = tpu.memref_slice %arg3[%dma_wait3A_526, %dma_wait3A_527] : memref<100000x1024xf32, #tpu.memory_space<hbm>> -> memref<32x1024xf32, #tpu.memory_space<hbm>>
      %dma_wait3A_529 = tpu.memref_slice %arg7[%dma_wait3A_521] : memref<3x!tpu.dma_semaphore, #tpu.memory_space<semaphore_mem>> -> memref<1x!tpu.dma_semaphore, #tpu.memory_space<semaphore_mem>>
      %dma_wait3A_530 = tpu.memref_squeeze %dma_wait3A_529 : memref<1x!tpu.dma_semaphore, #tpu.memory_space<semaphore_mem>> -> memref<!tpu.dma_semaphore, #tpu.memory_space<semaphore_mem>>
      %dma_wait3A_531 = arith.constant 0 : i32
      %dma_wait3A_532 = arith.constant 0 : i32
      %dma_wait3A_533 = tpu.memref_slice %arg6[%dma_wait3A_520, %dma_wait3A_531, %dma_wait3A_532] : memref<3x32x1024xf32, #tpu.memory_space<vmem>> -> memref<1x32x1024xf32, #tpu.memory_space<vmem>>
      %dma_wait3A_534 = tpu.memref_squeeze %dma_wait3A_533 : memref<1x32x1024xf32, #tpu.memory_space<vmem>> -> memref<32x1024xf32, #tpu.memory_space<vmem>>
      %dma_wait3A_535 = arith.constant 0 : i32
      %dma_wait3A_536 = arith.constant 0 : i32
      %dma_wait3A_537 = tpu.memref_slice %arg3[%dma_wait3A_535, %dma_wait3A_536] : memref<100000x1024xf32, #tpu.memory_space<hbm>> -> memref<32x1024xf32, #tpu.memory_space<hbm>>
      tpu.wait_dma2 semaphore(%dma_wait3A_530 : memref<!tpu.dma_semaphore, #tpu.memory_space<semaphore_mem>>) src(%dma_wait3A_537 : memref<32x1024xf32, #tpu.memory_space<hbm>>) dst(%dma_wait3A_534 : memref<32x1024xf32, #tpu.memory_space<vmem>>)
      %mul3A_538 = arith.constant 32 : i32
      %mul3A_539 = arith.muli %add3A_519, %mul3A_538 : i32
      %add3A_540 = arith.addi %mul3A_2, %mul3A_539 : i32
      %dma_start3A_541 = arith.constant 0 : i32
      %dma_start3A_542 = arith.constant 0 : i32
      %dma_start3A_543 = arith.constant 0 : i32
      %dma_start3A_544 = arith.constant 0 : i32
      %dma_start3A_545 = tpu.memref_slice %arg6[%dma_start3A_541, %dma_start3A_543, %dma_start3A_544] : memref<3x32x1024xf32, #tpu.memory_space<vmem>> -> memref<1x32x1024xf32, #tpu.memory_space<vmem>>
      %dma_start3A_546 = tpu.memref_squeeze %dma_start3A_545 : memref<1x32x1024xf32, #tpu.memory_space<vmem>> -> memref<32x1024xf32, #tpu.memory_space<vmem>>
      %dma_start3A_547 = arith.constant 0 : i32
      %dma_start3A_548 = tpu.memref_slice %arg4[%add3A_540, %dma_start3A_547] : memref<32768x1024xf32, #tpu.memory_space<hbm>> -> memref<32x1024xf32, #tpu.memory_space<hbm>>
      %dma_start3A_549 = tpu.memref_slice %arg8[%dma_start3A_542] : memref<3x!tpu.dma_semaphore, #tpu.memory_space<semaphore_mem>> -> memref<1x!tpu.dma_semaphore, #tpu.memory_space<semaphore_mem>>
      %dma_start3A_550 = tpu.memref_squeeze %dma_start3A_549 : memref<1x!tpu.dma_semaphore, #tpu.memory_space<semaphore_mem>> -> memref<!tpu.dma_semaphore, #tpu.memory_space<semaphore_mem>>
      %dma_start3A_551 = arith.constant 0 : i32
      %dma_start3A_552 = tpu.memref_slice %arg4[%add3A_540, %dma_start3A_551] : memref<32768x1024xf32, #tpu.memory_space<hbm>> -> memref<32x1024xf32, #tpu.memory_space<hbm>>
      %dma_start3A_553 = arith.constant 0 : i32
      %dma_start3A_554 = arith.constant 0 : i32
      %dma_start3A_555 = tpu.memref_slice %arg6[%dma_start3A_541, %dma_start3A_553, %dma_start3A_554] : memref<3x32x1024xf32, #tpu.memory_space<vmem>> -> memref<1x32x1024xf32, #tpu.memory_space<vmem>>
      %dma_start3A_556 = tpu.memref_squeeze %dma_start3A_555 : memref<1x32x1024xf32, #tpu.memory_space<vmem>> -> memref<32x1024xf32, #tpu.memory_space<vmem>>
      tpu.enqueue_dma source(%dma_start3A_556 : memref<32x1024xf32, #tpu.memory_space<vmem>>) target(%dma_start3A_552 : memref<32x1024xf32, #tpu.memory_space<hbm>>) target_semaphore(%dma_start3A_550 : memref<!tpu.dma_semaphore, #tpu.memory_space<semaphore_mem>>)
      %dma_wait3A_557 = arith.constant 2 : i32
      %dma_wait3A_558 = arith.constant 2 : i32
      %dma_wait3A_559 = arith.constant 0 : i32
      %dma_wait3A_560 = arith.constant 0 : i32
      %dma_wait3A_561 = tpu.memref_slice %arg6[%dma_wait3A_557, %dma_wait3A_559, %dma_wait3A_560] : memref<3x32x1024xf32, #tpu.memory_space<vmem>> -> memref<1x32x1024xf32, #tpu.memory_space<vmem>>
      %dma_wait3A_562 = tpu.memref_squeeze %dma_wait3A_561 : memref<1x32x1024xf32, #tpu.memory_space<vmem>> -> memref<32x1024xf32, #tpu.memory_space<vmem>>
      %dma_wait3A_563 = arith.constant 0 : i32
      %dma_wait3A_564 = tpu.memref_slice %arg4[%mul3A_2, %dma_wait3A_563] : memref<32768x1024xf32, #tpu.memory_space<hbm>> -> memref<32x1024xf32, #tpu.memory_space<hbm>>
      %dma_wait3A_565 = tpu.memref_slice %arg8[%dma_wait3A_558] : memref<3x!tpu.dma_semaphore, #tpu.memory_space<semaphore_mem>> -> memref<1x!tpu.dma_semaphore, #tpu.memory_space<semaphore_mem>>
      %dma_wait3A_566 = tpu.memref_squeeze %dma_wait3A_565 : memref<1x!tpu.dma_semaphore, #tpu.memory_space<semaphore_mem>> -> memref<!tpu.dma_semaphore, #tpu.memory_space<semaphore_mem>>
      %dma_wait3A_567 = arith.constant 0 : i32
      %dma_wait3A_568 = tpu.memref_slice %arg4[%mul3A_2, %dma_wait3A_567] : memref<32768x1024xf32, #tpu.memory_space<hbm>> -> memref<32x1024xf32, #tpu.memory_space<hbm>>
      %dma_wait3A_569 = arith.constant 0 : i32
      %dma_wait3A_570 = arith.constant 0 : i32
      %dma_wait3A_571 = tpu.memref_slice %arg6[%dma_wait3A_557, %dma_wait3A_569, %dma_wait3A_570] : memref<3x32x1024xf32, #tpu.memory_space<vmem>> -> memref<1x32x1024xf32, #tpu.memory_space<vmem>>
      %dma_wait3A_572 = tpu.memref_squeeze %dma_wait3A_571 : memref<1x32x1024xf32, #tpu.memory_space<vmem>> -> memref<32x1024xf32, #tpu.memory_space<vmem>>
      tpu.wait_dma2 semaphore(%dma_wait3A_566 : memref<!tpu.dma_semaphore, #tpu.memory_space<semaphore_mem>>) src(%dma_wait3A_572 : memref<32x1024xf32, #tpu.memory_space<vmem>>) dst(%dma_wait3A_568 : memref<32x1024xf32, #tpu.memory_space<hbm>>)
      %add3A_573 = arith.constant 2 : i32
      %add3A_574 = arith.addi %add3A_519, %add3A_573 : i32
      %mul3A_575 = arith.constant 32 : i32
      %mul3A_576 = arith.muli %add3A_574, %mul3A_575 : i32
      %dma_start3A_577 = arith.constant 2 : i32
      %dma_start3A_578 = arith.constant 2 : i32
      %dma_start3A_579 = arith.constant 0 : i32
      %dma_start3A_580 = arith.constant 0 : i32
      %dma_start3A_581 = tpu.memref_slice %arg6[%dma_start3A_577, %dma_start3A_579, %dma_start3A_580] : memref<3x32x1024xf32, #tpu.memory_space<vmem>> -> memref<1x32x1024xf32, #tpu.memory_space<vmem>>
      %dma_start3A_582 = tpu.memref_squeeze %dma_start3A_581 : memref<1x32x1024xf32, #tpu.memory_space<vmem>> -> memref<32x1024xf32, #tpu.memory_space<vmem>>
      %dma_start3A_583 = tpu.memref_slice %arg5[%mul3A_576] : memref<1024xi32, #tpu.memory_space<vmem>> -> memref<32xi32, #tpu.memory_space<vmem>>
      %dma_start3A_584 = arith.constant 0 : i32
      %dma_start3A_585 = arith.constant 0 : i32
      %dma_start3A_586 = tpu.memref_slice %arg3[%dma_start3A_584, %dma_start3A_585] : memref<100000x1024xf32, #tpu.memory_space<hbm>> -> memref<100000x1024xf32, #tpu.memory_space<hbm>>
      %dma_start3A_587 = tpu.memref_slice %arg7[%dma_start3A_578] : memref<3x!tpu.dma_semaphore, #tpu.memory_space<semaphore_mem>> -> memref<1x!tpu.dma_semaphore, #tpu.memory_space<semaphore_mem>>
      %dma_start3A_588 = tpu.memref_squeeze %dma_start3A_587 : memref<1x!tpu.dma_semaphore, #tpu.memory_space<semaphore_mem>> -> memref<!tpu.dma_semaphore, #tpu.memory_space<semaphore_mem>>
      tpu.enqueue_indirect_dma source(%dma_start3A_586 : memref<100000x1024xf32, #tpu.memory_space<hbm>>) target(%dma_start3A_582 : memref<32x1024xf32, #tpu.memory_space<vmem>>) offsets(%dma_start3A_583 : memref<32xi32, #tpu.memory_space<vmem>>) semaphore(%dma_start3A_588 : memref<!tpu.dma_semaphore, #tpu.memory_space<semaphore_mem>>)
    }
    %scan3A_112 = arith.constant 9 : i32
    %dma_wait3A_113 = arith.constant 1 : i32
    %dma_wait3A_114 = arith.constant 1 : i32
    %dma_wait3A_115 = arith.constant 0 : i32
    %dma_wait3A_116 = arith.constant 0 : i32
    %dma_wait3A_117 = tpu.memref_slice %arg6[%dma_wait3A_113, %dma_wait3A_115, %dma_wait3A_116] : memref<3x32x1024xf32, #tpu.memory_space<vmem>> -> memref<1x32x1024xf32, #tpu.memory_space<vmem>>
    %dma_wait3A_118 = tpu.memref_squeeze %dma_wait3A_117 : memref<1x32x1024xf32, #tpu.memory_space<vmem>> -> memref<32x1024xf32, #tpu.memory_space<vmem>>
    %dma_wait3A_119 = arith.constant 0 : i32
    %dma_wait3A_120 = arith.constant 0 : i32
    %dma_wait3A_121 = tpu.memref_slice %arg3[%dma_wait3A_119, %dma_wait3A_120] : memref<100000x1024xf32, #tpu.memory_space<hbm>> -> memref<32x1024xf32, #tpu.memory_space<hbm>>
    %dma_wait3A_122 = tpu.memref_slice %arg7[%dma_wait3A_114] : memref<3x!tpu.dma_semaphore, #tpu.memory_space<semaphore_mem>> -> memref<1x!tpu.dma_semaphore, #tpu.memory_space<semaphore_mem>>
    %dma_wait3A_123 = tpu.memref_squeeze %dma_wait3A_122 : memref<1x!tpu.dma_semaphore, #tpu.memory_space<semaphore_mem>> -> memref<!tpu.dma_semaphore, #tpu.memory_space<semaphore_mem>>
    %dma_wait3A_124 = arith.constant 0 : i32
    %dma_wait3A_125 = arith.constant 0 : i32
    %dma_wait3A_126 = tpu.memref_slice %arg6[%dma_wait3A_113, %dma_wait3A_124, %dma_wait3A_125] : memref<3x32x1024xf32, #tpu.memory_space<vmem>> -> memref<1x32x1024xf32, #tpu.memory_space<vmem>>
    %dma_wait3A_127 = tpu.memref_squeeze %dma_wait3A_126 : memref<1x32x1024xf32, #tpu.memory_space<vmem>> -> memref<32x1024xf32, #tpu.memory_space<vmem>>
    %dma_wait3A_128 = arith.constant 0 : i32
    %dma_wait3A_129 = arith.constant 0 : i32
    %dma_wait3A_130 = tpu.memref_slice %arg3[%dma_wait3A_128, %dma_wait3A_129] : memref<100000x1024xf32, #tpu.memory_space<hbm>> -> memref<32x1024xf32, #tpu.memory_space<hbm>>
    tpu.wait_dma2 semaphore(%dma_wait3A_123 : memref<!tpu.dma_semaphore, #tpu.memory_space<semaphore_mem>>) src(%dma_wait3A_130 : memref<32x1024xf32, #tpu.memory_space<hbm>>) dst(%dma_wait3A_127 : memref<32x1024xf32, #tpu.memory_space<vmem>>)
    %add3A_131 = arith.constant 896 : i32
    %add3A_132 = arith.addi %mul3A_2, %add3A_131 : i32
    %dma_start3A_133 = arith.constant 1 : i32
    %dma_start3A_134 = arith.constant 1 : i32
    %dma_start3A_135 = arith.constant 0 : i32
    %dma_start3A_136 = arith.constant 0 : i32
    %dma_start3A_137 = tpu.memref_slice %arg6[%dma_start3A_133, %dma_start3A_135, %dma_start3A_136] : memref<3x32x1024xf32, #tpu.memory_space<vmem>> -> memref<1x32x1024xf32, #tpu.memory_space<vmem>>
    %dma_start3A_138 = tpu.memref_squeeze %dma_start3A_137 : memref<1x32x1024xf32, #tpu.memory_space<vmem>> -> memref<32x1024xf32, #tpu.memory_space<vmem>>
    %dma_start3A_139 = arith.constant 0 : i32
    %dma_start3A_140 = tpu.memref_slice %arg4[%add3A_132, %dma_start3A_139] : memref<32768x1024xf32, #tpu.memory_space<hbm>> -> memref<32x1024xf32, #tpu.memory_space<hbm>>
    %dma_start3A_141 = tpu.memref_slice %arg8[%dma_start3A_134] : memref<3x!tpu.dma_semaphore, #tpu.memory_space<semaphore_mem>> -> memref<1x!tpu.dma_semaphore, #tpu.memory_space<semaphore_mem>>
    %dma_start3A_142 = tpu.memref_squeeze %dma_start3A_141 : memref<1x!tpu.dma_semaphore, #tpu.memory_space<semaphore_mem>> -> memref<!tpu.dma_semaphore, #tpu.memory_space<semaphore_mem>>
    %dma_start3A_143 = arith.constant 0 : i32
    %dma_start3A_144 = tpu.memref_slice %arg4[%add3A_132, %dma_start3A_143] : memref<32768x1024xf32, #tpu.memory_space<hbm>> -> memref<32x1024xf32, #tpu.memory_space<hbm>>
    %dma_start3A_145 = arith.constant 0 : i32
    %dma_start3A_146 = arith.constant 0 : i32
    %dma_start3A_147 = tpu.memref_slice %arg6[%dma_start3A_133, %dma_start3A_145, %dma_start3A_146] : memref<3x32x1024xf32, #tpu.memory_space<vmem>> -> memref<1x32x1024xf32, #tpu.memory_space<vmem>>
    %dma_start3A_148 = tpu.memref_squeeze %dma_start3A_147 : memref<1x32x1024xf32, #tpu.memory_space<vmem>> -> memref<32x1024xf32, #tpu.memory_space<vmem>>
    tpu.enqueue_dma source(%dma_start3A_148 : memref<32x1024xf32, #tpu.memory_space<vmem>>) target(%dma_start3A_144 : memref<32x1024xf32, #tpu.memory_space<hbm>>) target_semaphore(%dma_start3A_142 : memref<!tpu.dma_semaphore, #tpu.memory_space<semaphore_mem>>)
    %dma_wait3A_149 = arith.constant 0 : i32
    %dma_wait3A_150 = arith.constant 0 : i32
    %dma_wait3A_151 = arith.constant 0 : i32
    %dma_wait3A_152 = arith.constant 0 : i32
    %dma_wait3A_153 = tpu.memref_slice %arg6[%dma_wait3A_149, %dma_wait3A_151, %dma_wait3A_152] : memref<3x32x1024xf32, #tpu.memory_space<vmem>> -> memref<1x32x1024xf32, #tpu.memory_space<vmem>>
    %dma_wait3A_154 = tpu.memref_squeeze %dma_wait3A_153 : memref<1x32x1024xf32, #tpu.memory_space<vmem>> -> memref<32x1024xf32, #tpu.memory_space<vmem>>
    %dma_wait3A_155 = arith.constant 0 : i32
    %dma_wait3A_156 = tpu.memref_slice %arg4[%mul3A_2, %dma_wait3A_155] : memref<32768x1024xf32, #tpu.memory_space<hbm>> -> memref<32x1024xf32, #tpu.memory_space<hbm>>
    %dma_wait3A_157 = tpu.memref_slice %arg8[%dma_wait3A_150] : memref<3x!tpu.dma_semaphore, #tpu.memory_space<semaphore_mem>> -> memref<1x!tpu.dma_semaphore, #tpu.memory_space<semaphore_mem>>
    %dma_wait3A_158 = tpu.memref_squeeze %dma_wait3A_157 : memref<1x!tpu.dma_semaphore, #tpu.memory_space<semaphore_mem>> -> memref<!tpu.dma_semaphore, #tpu.memory_space<semaphore_mem>>
    %dma_wait3A_159 = arith.constant 0 : i32
    %dma_wait3A_160 = tpu.memref_slice %arg4[%mul3A_2, %dma_wait3A_159] : memref<32768x1024xf32, #tpu.memory_space<hbm>> -> memref<32x1024xf32, #tpu.memory_space<hbm>>
    %dma_wait3A_161 = arith.constant 0 : i32
    %dma_wait3A_162 = arith.constant 0 : i32
    %dma_wait3A_163 = tpu.memref_slice %arg6[%dma_wait3A_149, %dma_wait3A_161, %dma_wait3A_162] : memref<3x32x1024xf32, #tpu.memory_space<vmem>> -> memref<1x32x1024xf32, #tpu.memory_space<vmem>>
    %dma_wait3A_164 = tpu.memref_squeeze %dma_wait3A_163 : memref<1x32x1024xf32, #tpu.memory_space<vmem>> -> memref<32x1024xf32, #tpu.memory_space<vmem>>
    tpu.wait_dma2 semaphore(%dma_wait3A_158 : memref<!tpu.dma_semaphore, #tpu.memory_space<semaphore_mem>>) src(%dma_wait3A_164 : memref<32x1024xf32, #tpu.memory_space<vmem>>) dst(%dma_wait3A_160 : memref<32x1024xf32, #tpu.memory_space<hbm>>)
    %dma_start3A_165 = arith.constant 0 : i32
    %dma_start3A_166 = arith.constant 0 : i32
    %dma_start3A_167 = arith.constant 0 : i32
    %dma_start3A_168 = arith.constant 0 : i32
    %dma_start3A_169 = tpu.memref_slice %arg6[%dma_start3A_165, %dma_start3A_167, %dma_start3A_168] : memref<3x32x1024xf32, #tpu.memory_space<vmem>> -> memref<1x32x1024xf32, #tpu.memory_space<vmem>>
    %dma_start3A_170 = tpu.memref_squeeze %dma_start3A_169 : memref<1x32x1024xf32, #tpu.memory_space<vmem>> -> memref<32x1024xf32, #tpu.memory_space<vmem>>
    %dma_start3A_171 = arith.constant 960 : i32
    %dma_start3A_172 = tpu.memref_slice %arg5[%dma_start3A_171] : memref<1024xi32, #tpu.memory_space<vmem>> -> memref<32xi32, #tpu.memory_space<vmem>>
    %dma_start3A_173 = arith.constant 0 : i32
    %dma_start3A_174 = arith.constant 0 : i32
    %dma_start3A_175 = tpu.memref_slice %arg3[%dma_start3A_173, %dma_start3A_174] : memref<100000x1024xf32, #tpu.memory_space<hbm>> -> memref<100000x1024xf32, #tpu.memory_space<hbm>>
    %dma_start3A_176 = tpu.memref_slice %arg7[%dma_start3A_166] : memref<3x!tpu.dma_semaphore, #tpu.memory_space<semaphore_mem>> -> memref<1x!tpu.dma_semaphore, #tpu.memory_space<semaphore_mem>>
    %dma_start3A_177 = tpu.memref_squeeze %dma_start3A_176 : memref<1x!tpu.dma_semaphore, #tpu.memory_space<semaphore_mem>> -> memref<!tpu.dma_semaphore, #tpu.memory_space<semaphore_mem>>
    tpu.enqueue_indirect_dma source(%dma_start3A_175 : memref<100000x1024xf32, #tpu.memory_space<hbm>>) target(%dma_start3A_170 : memref<32x1024xf32, #tpu.memory_space<vmem>>) offsets(%dma_start3A_172 : memref<32xi32, #tpu.memory_space<vmem>>) semaphore(%dma_start3A_177 : memref<!tpu.dma_semaphore, #tpu.memory_space<semaphore_mem>>)
    %dma_wait3A_178 = arith.constant 2 : i32
    %dma_wait3A_179 = arith.constant 2 : i32
    %dma_wait3A_180 = arith.constant 0 : i32
    %dma_wait3A_181 = arith.constant 0 : i32
    %dma_wait3A_182 = tpu.memref_slice %arg6[%dma_wait3A_178, %dma_wait3A_180, %dma_wait3A_181] : memref<3x32x1024xf32, #tpu.memory_space<vmem>> -> memref<1x32x1024xf32, #tpu.memory_space<vmem>>
    %dma_wait3A_183 = tpu.memref_squeeze %dma_wait3A_182 : memref<1x32x1024xf32, #tpu.memory_space<vmem>> -> memref<32x1024xf32, #tpu.memory_space<vmem>>
    %dma_wait3A_184 = arith.constant 0 : i32
    %dma_wait3A_185 = arith.constant 0 : i32
    %dma_wait3A_186 = tpu.memref_slice %arg3[%dma_wait3A_184, %dma_wait3A_185] : memref<100000x1024xf32, #tpu.memory_space<hbm>> -> memref<32x1024xf32, #tpu.memory_space<hbm>>
    %dma_wait3A_187 = tpu.memref_slice %arg7[%dma_wait3A_179] : memref<3x!tpu.dma_semaphore, #tpu.memory_space<semaphore_mem>> -> memref<1x!tpu.dma_semaphore, #tpu.memory_space<semaphore_mem>>
    %dma_wait3A_188 = tpu.memref_squeeze %dma_wait3A_187 : memref<1x!tpu.dma_semaphore, #tpu.memory_space<semaphore_mem>> -> memref<!tpu.dma_semaphore, #tpu.memory_space<semaphore_mem>>
    %dma_wait3A_189 = arith.constant 0 : i32
    %dma_wait3A_190 = arith.constant 0 : i32
    %dma_wait3A_191 = tpu.memref_slice %arg6[%dma_wait3A_178, %dma_wait3A_189, %dma_wait3A_190] : memref<3x32x1024xf32, #tpu.memory_space<vmem>> -> memref<1x32x1024xf32, #tpu.memory_space<vmem>>
    %dma_wait3A_192 = tpu.memref_squeeze %dma_wait3A_191 : memref<1x32x1024xf32, #tpu.memory_space<vmem>> -> memref<32x1024xf32, #tpu.memory_space<vmem>>
    %dma_wait3A_193 = arith.constant 0 : i32
    %dma_wait3A_194 = arith.constant 0 : i32
    %dma_wait3A_195 = tpu.memref_slice %arg3[%dma_wait3A_193, %dma_wait3A_194] : memref<100000x1024xf32, #tpu.memory_space<hbm>> -> memref<32x1024xf32, #tpu.memory_space<hbm>>
    tpu.wait_dma2 semaphore(%dma_wait3A_188 : memref<!tpu.dma_semaphore, #tpu.memory_space<semaphore_mem>>) src(%dma_wait3A_195 : memref<32x1024xf32, #tpu.memory_space<hbm>>) dst(%dma_wait3A_192 : memref<32x1024xf32, #tpu.memory_space<vmem>>)
    %add3A_196 = arith.constant 928 : i32
    %add3A_197 = arith.addi %mul3A_2, %add3A_196 : i32
    %dma_start3A_198 = arith.constant 2 : i32
    %dma_start3A_199 = arith.constant 2 : i32
    %dma_start3A_200 = arith.constant 0 : i32
    %dma_start3A_201 = arith.constant 0 : i32
    %dma_start3A_202 = tpu.memref_slice %arg6[%dma_start3A_198, %dma_start3A_200, %dma_start3A_201] : memref<3x32x1024xf32, #tpu.memory_space<vmem>> -> memref<1x32x1024xf32, #tpu.memory_space<vmem>>
    %dma_start3A_203 = tpu.memref_squeeze %dma_start3A_202 : memref<1x32x1024xf32, #tpu.memory_space<vmem>> -> memref<32x1024xf32, #tpu.memory_space<vmem>>
    %dma_start3A_204 = arith.constant 0 : i32
    %dma_start3A_205 = tpu.memref_slice %arg4[%add3A_197, %dma_start3A_204] : memref<32768x1024xf32, #tpu.memory_space<hbm>> -> memref<32x1024xf32, #tpu.memory_space<hbm>>
    %dma_start3A_206 = tpu.memref_slice %arg8[%dma_start3A_199] : memref<3x!tpu.dma_semaphore, #tpu.memory_space<semaphore_mem>> -> memref<1x!tpu.dma_semaphore, #tpu.memory_space<semaphore_mem>>
    %dma_start3A_207 = tpu.memref_squeeze %dma_start3A_206 : memref<1x!tpu.dma_semaphore, #tpu.memory_space<semaphore_mem>> -> memref<!tpu.dma_semaphore, #tpu.memory_space<semaphore_mem>>
    %dma_start3A_208 = arith.constant 0 : i32
    %dma_start3A_209 = tpu.memref_slice %arg4[%add3A_197, %dma_start3A_208] : memref<32768x1024xf32, #tpu.memory_space<hbm>> -> memref<32x1024xf32, #tpu.memory_space<hbm>>
    %dma_start3A_210 = arith.constant 0 : i32
    %dma_start3A_211 = arith.constant 0 : i32
    %dma_start3A_212 = tpu.memref_slice %arg6[%dma_start3A_198, %dma_start3A_210, %dma_start3A_211] : memref<3x32x1024xf32, #tpu.memory_space<vmem>> -> memref<1x32x1024xf32, #tpu.memory_space<vmem>>
    %dma_start3A_213 = tpu.memref_squeeze %dma_start3A_212 : memref<1x32x1024xf32, #tpu.memory_space<vmem>> -> memref<32x1024xf32, #tpu.memory_space<vmem>>
    tpu.enqueue_dma source(%dma_start3A_213 : memref<32x1024xf32, #tpu.memory_space<vmem>>) target(%dma_start3A_209 : memref<32x1024xf32, #tpu.memory_space<hbm>>) target_semaphore(%dma_start3A_207 : memref<!tpu.dma_semaphore, #tpu.memory_space<semaphore_mem>>)
    %dma_wait3A_214 = arith.constant 1 : i32
    %dma_wait3A_215 = arith.constant 1 : i32
    %dma_wait3A_216 = arith.constant 0 : i32
    %dma_wait3A_217 = arith.constant 0 : i32
    %dma_wait3A_218 = tpu.memref_slice %arg6[%dma_wait3A_214, %dma_wait3A_216, %dma_wait3A_217] : memref<3x32x1024xf32, #tpu.memory_space<vmem>> -> memref<1x32x1024xf32, #tpu.memory_space<vmem>>
    %dma_wait3A_219 = tpu.memref_squeeze %dma_wait3A_218 : memref<1x32x1024xf32, #tpu.memory_space<vmem>> -> memref<32x1024xf32, #tpu.memory_space<vmem>>
    %dma_wait3A_220 = arith.constant 0 : i32
    %dma_wait3A_221 = tpu.memref_slice %arg4[%mul3A_2, %dma_wait3A_220] : memref<32768x1024xf32, #tpu.memory_space<hbm>> -> memref<32x1024xf32, #tpu.memory_space<hbm>>
    %dma_wait3A_222 = tpu.memref_slice %arg8[%dma_wait3A_215] : memref<3x!tpu.dma_semaphore, #tpu.memory_space<semaphore_mem>> -> memref<1x!tpu.dma_semaphore, #tpu.memory_space<semaphore_mem>>
    %dma_wait3A_223 = tpu.memref_squeeze %dma_wait3A_222 : memref<1x!tpu.dma_semaphore, #tpu.memory_space<semaphore_mem>> -> memref<!tpu.dma_semaphore, #tpu.memory_space<semaphore_mem>>
    %dma_wait3A_224 = arith.constant 0 : i32
    %dma_wait3A_225 = tpu.memref_slice %arg4[%mul3A_2, %dma_wait3A_224] : memref<32768x1024xf32, #tpu.memory_space<hbm>> -> memref<32x1024xf32, #tpu.memory_space<hbm>>
    %dma_wait3A_226 = arith.constant 0 : i32
    %dma_wait3A_227 = arith.constant 0 : i32
    %dma_wait3A_228 = tpu.memref_slice %arg6[%dma_wait3A_214, %dma_wait3A_226, %dma_wait3A_227] : memref<3x32x1024xf32, #tpu.memory_space<vmem>> -> memref<1x32x1024xf32, #tpu.memory_space<vmem>>
    %dma_wait3A_229 = tpu.memref_squeeze %dma_wait3A_228 : memref<1x32x1024xf32, #tpu.memory_space<vmem>> -> memref<32x1024xf32, #tpu.memory_space<vmem>>
    tpu.wait_dma2 semaphore(%dma_wait3A_223 : memref<!tpu.dma_semaphore, #tpu.memory_space<semaphore_mem>>) src(%dma_wait3A_229 : memref<32x1024xf32, #tpu.memory_space<vmem>>) dst(%dma_wait3A_225 : memref<32x1024xf32, #tpu.memory_space<hbm>>)
    %dma_start3A_230 = arith.constant 1 : i32
    %dma_start3A_231 = arith.constant 1 : i32
    %dma_start3A_232 = arith.constant 0 : i32
    %dma_start3A_233 = arith.constant 0 : i32
    %dma_start3A_234 = tpu.memref_slice %arg6[%dma_start3A_230, %dma_start3A_232, %dma_start3A_233] : memref<3x32x1024xf32, #tpu.memory_space<vmem>> -> memref<1x32x1024xf32, #tpu.memory_space<vmem>>
    %dma_start3A_235 = tpu.memref_squeeze %dma_start3A_234 : memref<1x32x1024xf32, #tpu.memory_space<vmem>> -> memref<32x1024xf32, #tpu.memory_space<vmem>>
    %dma_start3A_236 = arith.constant 992 : i32
    %dma_start3A_237 = tpu.memref_slice %arg5[%dma_start3A_236] : memref<1024xi32, #tpu.memory_space<vmem>> -> memref<32xi32, #tpu.memory_space<vmem>>
    %dma_start3A_238 = arith.constant 0 : i32
    %dma_start3A_239 = arith.constant 0 : i32
    %dma_start3A_240 = tpu.memref_slice %arg3[%dma_start3A_238, %dma_start3A_239] : memref<100000x1024xf32, #tpu.memory_space<hbm>> -> memref<100000x1024xf32, #tpu.memory_space<hbm>>
    %dma_start3A_241 = tpu.memref_slice %arg7[%dma_start3A_231] : memref<3x!tpu.dma_semaphore, #tpu.memory_space<semaphore_mem>> -> memref<1x!tpu.dma_semaphore, #tpu.memory_space<semaphore_mem>>
    %dma_start3A_242 = tpu.memref_squeeze %dma_start3A_241 : memref<1x!tpu.dma_semaphore, #tpu.memory_space<semaphore_mem>> -> memref<!tpu.dma_semaphore, #tpu.memory_space<semaphore_mem>>
    tpu.enqueue_indirect_dma source(%dma_start3A_240 : memref<100000x1024xf32, #tpu.memory_space<hbm>>) target(%dma_start3A_235 : memref<32x1024xf32, #tpu.memory_space<vmem>>) offsets(%dma_start3A_237 : memref<32xi32, #tpu.memory_space<vmem>>) semaphore(%dma_start3A_242 : memref<!tpu.dma_semaphore, #tpu.memory_space<semaphore_mem>>)
    %dma_wait3A_243 = arith.constant 0 : i32
    %dma_wait3A_244 = arith.constant 0 : i32
    %dma_wait3A_245 = arith.constant 0 : i32
    %dma_wait3A_246 = arith.constant 0 : i32
    %dma_wait3A_247 = tpu.memref_slice %arg6[%dma_wait3A_243, %dma_wait3A_245, %dma_wait3A_246] : memref<3x32x1024xf32, #tpu.memory_space<vmem>> -> memref<1x32x1024xf32, #tpu.memory_space<vmem>>
    %dma_wait3A_248 = tpu.memref_squeeze %dma_wait3A_247 : memref<1x32x1024xf32, #tpu.memory_space<vmem>> -> memref<32x1024xf32, #tpu.memory_space<vmem>>
    %dma_wait3A_249 = arith.constant 0 : i32
    %dma_wait3A_250 = arith.constant 0 : i32
    %dma_wait3A_251 = tpu.memref_slice %arg3[%dma_wait3A_249, %dma_wait3A_250] : memref<100000x1024xf32, #tpu.memory_space<hbm>> -> memref<32x1024xf32, #tpu.memory_space<hbm>>
    %dma_wait3A_252 = tpu.memref_slice %arg7[%dma_wait3A_244] : memref<3x!tpu.dma_semaphore, #tpu.memory_space<semaphore_mem>> -> memref<1x!tpu.dma_semaphore, #tpu.memory_space<semaphore_mem>>
    %dma_wait3A_253 = tpu.memref_squeeze %dma_wait3A_252 : memref<1x!tpu.dma_semaphore, #tpu.memory_space<semaphore_mem>> -> memref<!tpu.dma_semaphore, #tpu.memory_space<semaphore_mem>>
    %dma_wait3A_254 = arith.constant 0 : i32
    %dma_wait3A_255 = arith.constant 0 : i32
    %dma_wait3A_256 = tpu.memref_slice %arg6[%dma_wait3A_243, %dma_wait3A_254, %dma_wait3A_255] : memref<3x32x1024xf32, #tpu.memory_space<vmem>> -> memref<1x32x1024xf32, #tpu.memory_space<vmem>>
    %dma_wait3A_257 = tpu.memref_squeeze %dma_wait3A_256 : memref<1x32x1024xf32, #tpu.memory_space<vmem>> -> memref<32x1024xf32, #tpu.memory_space<vmem>>
    %dma_wait3A_258 = arith.constant 0 : i32
    %dma_wait3A_259 = arith.constant 0 : i32
    %dma_wait3A_260 = tpu.memref_slice %arg3[%dma_wait3A_258, %dma_wait3A_259] : memref<100000x1024xf32, #tpu.memory_space<hbm>> -> memref<32x1024xf32, #tpu.memory_space<hbm>>
    tpu.wait_dma2 semaphore(%dma_wait3A_253 : memref<!tpu.dma_semaphore, #tpu.memory_space<semaphore_mem>>) src(%dma_wait3A_260 : memref<32x1024xf32, #tpu.memory_space<hbm>>) dst(%dma_wait3A_257 : memref<32x1024xf32, #tpu.memory_space<vmem>>)
    %add3A_261 = arith.constant 960 : i32
    %add3A_262 = arith.addi %mul3A_2, %add3A_261 : i32
    %dma_start3A_263 = arith.constant 0 : i32
    %dma_start3A_264 = arith.constant 0 : i32
    %dma_start3A_265 = arith.constant 0 : i32
    %dma_start3A_266 = arith.constant 0 : i32
    %dma_start3A_267 = tpu.memref_slice %arg6[%dma_start3A_263, %dma_start3A_265, %dma_start3A_266] : memref<3x32x1024xf32, #tpu.memory_space<vmem>> -> memref<1x32x1024xf32, #tpu.memory_space<vmem>>
    %dma_start3A_268 = tpu.memref_squeeze %dma_start3A_267 : memref<1x32x1024xf32, #tpu.memory_space<vmem>> -> memref<32x1024xf32, #tpu.memory_space<vmem>>
    %dma_start3A_269 = arith.constant 0 : i32
    %dma_start3A_270 = tpu.memref_slice %arg4[%add3A_262, %dma_start3A_269] : memref<32768x1024xf32, #tpu.memory_space<hbm>> -> memref<32x1024xf32, #tpu.memory_space<hbm>>
    %dma_start3A_271 = tpu.memref_slice %arg8[%dma_start3A_264] : memref<3x!tpu.dma_semaphore, #tpu.memory_space<semaphore_mem>> -> memref<1x!tpu.dma_semaphore, #tpu.memory_space<semaphore_mem>>
    %dma_start3A_272 = tpu.memref_squeeze %dma_start3A_271 : memref<1x!tpu.dma_semaphore, #tpu.memory_space<semaphore_mem>> -> memref<!tpu.dma_semaphore, #tpu.memory_space<semaphore_mem>>
    %dma_start3A_273 = arith.constant 0 : i32
    %dma_start3A_274 = tpu.memref_slice %arg4[%add3A_262, %dma_start3A_273] : memref<32768x1024xf32, #tpu.memory_space<hbm>> -> memref<32x1024xf32, #tpu.memory_space<hbm>>
    %dma_start3A_275 = arith.constant 0 : i32
    %dma_start3A_276 = arith.constant 0 : i32
    %dma_start3A_277 = tpu.memref_slice %arg6[%dma_start3A_263, %dma_start3A_275, %dma_start3A_276] : memref<3x32x1024xf32, #tpu.memory_space<vmem>> -> memref<1x32x1024xf32, #tpu.memory_space<vmem>>
    %dma_start3A_278 = tpu.memref_squeeze %dma_start3A_277 : memref<1x32x1024xf32, #tpu.memory_space<vmem>> -> memref<32x1024xf32, #tpu.memory_space<vmem>>
    tpu.enqueue_dma source(%dma_start3A_278 : memref<32x1024xf32, #tpu.memory_space<vmem>>) target(%dma_start3A_274 : memref<32x1024xf32, #tpu.memory_space<hbm>>) target_semaphore(%dma_start3A_272 : memref<!tpu.dma_semaphore, #tpu.memory_space<semaphore_mem>>)
    %dma_wait3A_279 = arith.constant 2 : i32
    %dma_wait3A_280 = arith.constant 2 : i32
    %dma_wait3A_281 = arith.constant 0 : i32
    %dma_wait3A_282 = arith.constant 0 : i32
    %dma_wait3A_283 = tpu.memref_slice %arg6[%dma_wait3A_279, %dma_wait3A_281, %dma_wait3A_282] : memref<3x32x1024xf32, #tpu.memory_space<vmem>> -> memref<1x32x1024xf32, #tpu.memory_space<vmem>>
    %dma_wait3A_284 = tpu.memref_squeeze %dma_wait3A_283 : memref<1x32x1024xf32, #tpu.memory_space<vmem>> -> memref<32x1024xf32, #tpu.memory_space<vmem>>
    %dma_wait3A_285 = arith.constant 0 : i32
    %dma_wait3A_286 = tpu.memref_slice %arg4[%mul3A_2, %dma_wait3A_285] : memref<32768x1024xf32, #tpu.memory_space<hbm>> -> memref<32x1024xf32, #tpu.memory_space<hbm>>
    %dma_wait3A_287 = tpu.memref_slice %arg8[%dma_wait3A_280] : memref<3x!tpu.dma_semaphore, #tpu.memory_space<semaphore_mem>> -> memref<1x!tpu.dma_semaphore, #tpu.memory_space<semaphore_mem>>
    %dma_wait3A_288 = tpu.memref_squeeze %dma_wait3A_287 : memref<1x!tpu.dma_semaphore, #tpu.memory_space<semaphore_mem>> -> memref<!tpu.dma_semaphore, #tpu.memory_space<semaphore_mem>>
    %dma_wait3A_289 = arith.constant 0 : i32
    %dma_wait3A_290 = tpu.memref_slice %arg4[%mul3A_2, %dma_wait3A_289] : memref<32768x1024xf32, #tpu.memory_space<hbm>> -> memref<32x1024xf32, #tpu.memory_space<hbm>>
    %dma_wait3A_291 = arith.constant 0 : i32
    %dma_wait3A_292 = arith.constant 0 : i32
    %dma_wait3A_293 = tpu.memref_slice %arg6[%dma_wait3A_279, %dma_wait3A_291, %dma_wait3A_292] : memref<3x32x1024xf32, #tpu.memory_space<vmem>> -> memref<1x32x1024xf32, #tpu.memory_space<vmem>>
    %dma_wait3A_294 = tpu.memref_squeeze %dma_wait3A_293 : memref<1x32x1024xf32, #tpu.memory_space<vmem>> -> memref<32x1024xf32, #tpu.memory_space<vmem>>
    tpu.wait_dma2 semaphore(%dma_wait3A_288 : memref<!tpu.dma_semaphore, #tpu.memory_space<semaphore_mem>>) src(%dma_wait3A_294 : memref<32x1024xf32, #tpu.memory_space<vmem>>) dst(%dma_wait3A_290 : memref<32x1024xf32, #tpu.memory_space<hbm>>)
    %dma_wait3A_295 = arith.constant 1 : i32
    %dma_wait3A_296 = arith.constant 1 : i32
    %dma_wait3A_297 = arith.constant 0 : i32
    %dma_wait3A_298 = arith.constant 0 : i32
    %dma_wait3A_299 = tpu.memref_slice %arg6[%dma_wait3A_295, %dma_wait3A_297, %dma_wait3A_298] : memref<3x32x1024xf32, #tpu.memory_space<vmem>> -> memref<1x32x1024xf32, #tpu.memory_space<vmem>>
    %dma_wait3A_300 = tpu.memref_squeeze %dma_wait3A_299 : memref<1x32x1024xf32, #tpu.memory_space<vmem>> -> memref<32x1024xf32, #tpu.memory_space<vmem>>
    %dma_wait3A_301 = arith.constant 0 : i32
    %dma_wait3A_302 = arith.constant 0 : i32
    %dma_wait3A_303 = tpu.memref_slice %arg3[%dma_wait3A_301, %dma_wait3A_302] : memref<100000x1024xf32, #tpu.memory_space<hbm>> -> memref<32x1024xf32, #tpu.memory_space<hbm>>
    %dma_wait3A_304 = tpu.memref_slice %arg7[%dma_wait3A_296] : memref<3x!tpu.dma_semaphore, #tpu.memory_space<semaphore_mem>> -> memref<1x!tpu.dma_semaphore, #tpu.memory_space<semaphore_mem>>
    %dma_wait3A_305 = tpu.memref_squeeze %dma_wait3A_304 : memref<1x!tpu.dma_semaphore, #tpu.memory_space<semaphore_mem>> -> memref<!tpu.dma_semaphore, #tpu.memory_space<semaphore_mem>>
    %dma_wait3A_306 = arith.constant 0 : i32
    %dma_wait3A_307 = arith.constant 0 : i32
    %dma_wait3A_308 = tpu.memref_slice %arg6[%dma_wait3A_295, %dma_wait3A_306, %dma_wait3A_307] : memref<3x32x1024xf32, #tpu.memory_space<vmem>> -> memref<1x32x1024xf32, #tpu.memory_space<vmem>>
    %dma_wait3A_309 = tpu.memref_squeeze %dma_wait3A_308 : memref<1x32x1024xf32, #tpu.memory_space<vmem>> -> memref<32x1024xf32, #tpu.memory_space<vmem>>
    %dma_wait3A_310 = arith.constant 0 : i32
    %dma_wait3A_311 = arith.constant 0 : i32
    %dma_wait3A_312 = tpu.memref_slice %arg3[%dma_wait3A_310, %dma_wait3A_311] : memref<100000x1024xf32, #tpu.memory_space<hbm>> -> memref<32x1024xf32, #tpu.memory_space<hbm>>
    tpu.wait_dma2 semaphore(%dma_wait3A_305 : memref<!tpu.dma_semaphore, #tpu.memory_space<semaphore_mem>>) src(%dma_wait3A_312 : memref<32x1024xf32, #tpu.memory_space<hbm>>) dst(%dma_wait3A_309 : memref<32x1024xf32, #tpu.memory_space<vmem>>)
    %add3A_313 = arith.constant 992 : i32
    %add3A_314 = arith.addi %mul3A_2, %add3A_313 : i32
    %dma_start3A_315 = arith.constant 1 : i32
    %dma_start3A_316 = arith.constant 1 : i32
    %dma_start3A_317 = arith.constant 0 : i32
    %dma_start3A_318 = arith.constant 0 : i32
    %dma_start3A_319 = tpu.memref_slice %arg6[%dma_start3A_315, %dma_start3A_317, %dma_start3A_318] : memref<3x32x1024xf32, #tpu.memory_space<vmem>> -> memref<1x32x1024xf32, #tpu.memory_space<vmem>>
    %dma_start3A_320 = tpu.memref_squeeze %dma_start3A_319 : memref<1x32x1024xf32, #tpu.memory_space<vmem>> -> memref<32x1024xf32, #tpu.memory_space<vmem>>
    %dma_start3A_321 = arith.constant 0 : i32
    %dma_start3A_322 = tpu.memref_slice %arg4[%add3A_314, %dma_start3A_321] : memref<32768x1024xf32, #tpu.memory_space<hbm>> -> memref<32x1024xf32, #tpu.memory_space<hbm>>
    %dma_start3A_323 = tpu.memref_slice %arg8[%dma_start3A_316] : memref<3x!tpu.dma_semaphore, #tpu.memory_space<semaphore_mem>> -> memref<1x!tpu.dma_semaphore, #tpu.memory_space<semaphore_mem>>
    %dma_start3A_324 = tpu.memref_squeeze %dma_start3A_323 : memref<1x!tpu.dma_semaphore, #tpu.memory_space<semaphore_mem>> -> memref<!tpu.dma_semaphore, #tpu.memory_space<semaphore_mem>>
    %dma_start3A_325 = arith.constant 0 : i32
    %dma_start3A_326 = tpu.memref_slice %arg4[%add3A_314, %dma_start3A_325] : memref<32768x1024xf32, #tpu.memory_space<hbm>> -> memref<32x1024xf32, #tpu.memory_space<hbm>>
    %dma_start3A_327 = arith.constant 0 : i32
    %dma_start3A_328 = arith.constant 0 : i32
    %dma_start3A_329 = tpu.memref_slice %arg6[%dma_start3A_315, %dma_start3A_327, %dma_start3A_328] : memref<3x32x1024xf32, #tpu.memory_space<vmem>> -> memref<1x32x1024xf32, #tpu.memory_space<vmem>>
    %dma_start3A_330 = tpu.memref_squeeze %dma_start3A_329 : memref<1x32x1024xf32, #tpu.memory_space<vmem>> -> memref<32x1024xf32, #tpu.memory_space<vmem>>
    tpu.enqueue_dma source(%dma_start3A_330 : memref<32x1024xf32, #tpu.memory_space<vmem>>) target(%dma_start3A_326 : memref<32x1024xf32, #tpu.memory_space<hbm>>) target_semaphore(%dma_start3A_324 : memref<!tpu.dma_semaphore, #tpu.memory_space<semaphore_mem>>)
    %dma_wait3A_331 = arith.constant 0 : i32
    %dma_wait3A_332 = arith.constant 0 : i32
    %dma_wait3A_333 = arith.constant 0 : i32
    %dma_wait3A_334 = arith.constant 0 : i32
    %dma_wait3A_335 = tpu.memref_slice %arg6[%dma_wait3A_331, %dma_wait3A_333, %dma_wait3A_334] : memref<3x32x1024xf32, #tpu.memory_space<vmem>> -> memref<1x32x1024xf32, #tpu.memory_space<vmem>>
    %dma_wait3A_336 = tpu.memref_squeeze %dma_wait3A_335 : memref<1x32x1024xf32, #tpu.memory_space<vmem>> -> memref<32x1024xf32, #tpu.memory_space<vmem>>
    %dma_wait3A_337 = arith.constant 0 : i32
    %dma_wait3A_338 = tpu.memref_slice %arg4[%mul3A_2, %dma_wait3A_337] : memref<32768x1024xf32, #tpu.memory_space<hbm>> -> memref<32x1024xf32, #tpu.memory_space<hbm>>
    %dma_wait3A_339 = tpu.memref_slice %arg8[%dma_wait3A_332] : memref<3x!tpu.dma_semaphore, #tpu.memory_space<semaphore_mem>> -> memref<1x!tpu.dma_semaphore, #tpu.memory_space<semaphore_mem>>
    %dma_wait3A_340 = tpu.memref_squeeze %dma_wait3A_339 : memref<1x!tpu.dma_semaphore, #tpu.memory_space<semaphore_mem>> -> memref<!tpu.dma_semaphore, #tpu.memory_space<semaphore_mem>>
    %dma_wait3A_341 = arith.constant 0 : i32
    %dma_wait3A_342 = tpu.memref_slice %arg4[%mul3A_2, %dma_wait3A_341] : memref<32768x1024xf32, #tpu.memory_space<hbm>> -> memref<32x1024xf32, #tpu.memory_space<hbm>>
    %dma_wait3A_343 = arith.constant 0 : i32
    %dma_wait3A_344 = arith.constant 0 : i32
    %dma_wait3A_345 = tpu.memref_slice %arg6[%dma_wait3A_331, %dma_wait3A_343, %dma_wait3A_344] : memref<3x32x1024xf32, #tpu.memory_space<vmem>> -> memref<1x32x1024xf32, #tpu.memory_space<vmem>>
    %dma_wait3A_346 = tpu.memref_squeeze %dma_wait3A_345 : memref<1x32x1024xf32, #tpu.memory_space<vmem>> -> memref<32x1024xf32, #tpu.memory_space<vmem>>
    tpu.wait_dma2 semaphore(%dma_wait3A_340 : memref<!tpu.dma_semaphore, #tpu.memory_space<semaphore_mem>>) src(%dma_wait3A_346 : memref<32x1024xf32, #tpu.memory_space<vmem>>) dst(%dma_wait3A_342 : memref<32x1024xf32, #tpu.memory_space<hbm>>)
    %dma_wait3A_347 = arith.constant 1 : i32
    %dma_wait3A_348 = arith.constant 1 : i32
    %dma_wait3A_349 = arith.constant 0 : i32
    %dma_wait3A_350 = arith.constant 0 : i32
    %dma_wait3A_351 = tpu.memref_slice %arg6[%dma_wait3A_347, %dma_wait3A_349, %dma_wait3A_350] : memref<3x32x1024xf32, #tpu.memory_space<vmem>> -> memref<1x32x1024xf32, #tpu.memory_space<vmem>>
    %dma_wait3A_352 = tpu.memref_squeeze %dma_wait3A_351 : memref<1x32x1024xf32, #tpu.memory_space<vmem>> -> memref<32x1024xf32, #tpu.memory_space<vmem>>
    %dma_wait3A_353 = arith.constant 0 : i32
    %dma_wait3A_354 = tpu.memref_slice %arg4[%mul3A_2, %dma_wait3A_353] : memref<32768x1024xf32, #tpu.memory_space<hbm>> -> memref<32x1024xf32, #tpu.memory_space<hbm>>
    %dma_wait3A_355 = tpu.memref_slice %arg8[%dma_wait3A_348] : memref<3x!tpu.dma_semaphore, #tpu.memory_space<semaphore_mem>> -> memref<1x!tpu.dma_semaphore, #tpu.memory_space<semaphore_mem>>
    %dma_wait3A_356 = tpu.memref_squeeze %dma_wait3A_355 : memref<1x!tpu.dma_semaphore, #tpu.memory_space<semaphore_mem>> -> memref<!tpu.dma_semaphore, #tpu.memory_space<semaphore_mem>>
    %dma_wait3A_357 = arith.constant 0 : i32
    %dma_wait3A_358 = tpu.memref_slice %arg4[%mul3A_2, %dma_wait3A_357] : memref<32768x1024xf32, #tpu.memory_space<hbm>> -> memref<32x1024xf32, #tpu.memory_space<hbm>>
    %dma_wait3A_359 = arith.constant 0 : i32
    %dma_wait3A_360 = arith.constant 0 : i32
    %dma_wait3A_361 = tpu.memref_slice %arg6[%dma_wait3A_347, %dma_wait3A_359, %dma_wait3A_360] : memref<3x32x1024xf32, #tpu.memory_space<vmem>> -> memref<1x32x1024xf32, #tpu.memory_space<vmem>>
    %dma_wait3A_362 = tpu.memref_squeeze %dma_wait3A_361 : memref<1x32x1024xf32, #tpu.memory_space<vmem>> -> memref<32x1024xf32, #tpu.memory_space<vmem>>
    tpu.wait_dma2 semaphore(%dma_wait3A_356 : memref<!tpu.dma_semaphore, #tpu.memory_space<semaphore_mem>>) src(%dma_wait3A_362 : memref<32x1024xf32, #tpu.memory_space<vmem>>) dst(%dma_wait3A_358 : memref<32x1024xf32, #tpu.memory_space<hbm>>)
    return
  }
}

</mosaic_0001>

<sc_bundles>
// kernel: _sc_gather.3.cloned.1.call-start
scs
__scs_entry_jumppad:
0x0: {  	(pc) =	sbr.rel $0x88, $3  }
0x1: {  	(tag) =	ssettag $0x0;
	lr =	simm.s32 $0x1  }
0x2: {  	[smem:$0x3F9F] =	sst lr;
	_ =	strace $0xD0000000  }
0x3: {  	_ = 	snop  }
0x4: {  	_ = 	snop  }
0x5: {  	_ = 	snop  }
0x6: {  	_ = 	snop  }
0x7: {  	_ = 	snop  }
__scs_overlays_trampoline_lowered:
0x8: {  	[smem:$0x3FAE] =	sst s0  }
0x9: {  	[smem:$0x3FAF] =	sst s1  }
0xa: {  	[smem:$0x3FB0] =	sst s2  }
0xb: {  	[smem:$0x3FB1] =	sst s3  }
0xc: {  	[smem:$0x3FB2] =	sst s4  }
0xd: {  	[smem:$0x3FB3] =	sst s5  }
0xe: {  	[smem:$0x3FB4] =	sst s6  }
0xf: {  	[smem:$0x3FB5] =	sst s7  }
0x10: {  	[smem:$0x3FB6] =	sst s8  }
0x11: {  	[smem:$0x3FB7] =	sst s9;
	s0 =	simm.s32 @!p0 $0x0  }
0x12: {  	s1 =	sld [smem:$0x3F9D];
	s0 =	simm.s32 @p0 $0x1  }
0x13: {  	[smem:$0x3FB8] =	sst s0;
	s0 =	simm.s32 @!p1 $0x0  }
0x14: {  	s2 =	sld [smem:$0x3F9C];
	s0 =	simm.s32 @p1 $0x1  }
0x15: {  	[smem:$0x3FB9] =	sst s0;
	s0 =	simm.s32 @!p2 $0x0  }
0x16: {  	s3 =	sld [smem:$0x3FDB];
	s0 =	simm.s32 @p2 $0x1  }
0x17: {  	s4 =	simm.s32 $0x1BF5;
	[smem:$0x3FBB] =	sst s0  }
0x18: {  	s0 =	sld [smem:$0x3F9E];
	_ =	swait.ge [sflag:s4], $0x0  }
0x19: {  	s7 =	sld [smem:$0x3F9F]  }
0x1a: {  	s8 =	sadd.s32 $0xFFFFE003, lr  }
0x1b: {  	s9 =	sadd.s32 $0xFFFFFEF7, lr;
	s5 =	simm.s32 $0xFFFFFFFF;
	p2 =	slt.u32 s8, $0xFFFFF086  }
0x1c: {  	p1 =	slt.u32 s9, $0xF7A;
	s5 =	simm.s32 @!p2 $0x0  }
0x1d: {  	s5 =	simm.s32 @p1 $0x1;
	p0 =	seq.s32 s7, s2  }
0x1e: {  	s7 =	smul.u32 @!p0 $0xF7A, s2;
	p2 =	seq.s32 @!p0 s5, $0x0  }
0x1f: {  	s9 =	smul.u32 $0xF7A, s1;
	s8 =	simm.s32 @!p0 $0x1BF5;
	p2 =	por !p2, p0  }
0x20: {  	[sflag:s8] =	ssyncset.s32 @!p0 $0xFFFFF086;
	s6 =	sadd.s32 @!p0 s3, s7;
	s7 =	simm.s32 @!p0 $0x108  }
0x21: {  	s3 =	sadd.s32 s3, s9;
	s6 =	sadd.s32 @!p0 $0x88, s6;
	s7 =	simm.s32 @p2 $0x1082  }
0x22: {  	[simem:s7], [sflag:s8] =	dma.local @!p0 [hbm:s6], $0xF7A  }
0x23: {  	s9 =	sor.u32 $0xD0000000, s2;
	s6 =	simm.s32 $0x108;
	_ =	swait.ge @!p0 [sflag:s8], $0x0  }
0x24: {  	s3 =	sadd.s32 $0x88, s3;
	s6 =	simm.s32 @!p1 $0x1082;
	[sflag:s4] =	ssyncset.s32 $0xFFFFF086  }
0x25: {  	[simem:s6], [sflag:s4] =	dma.local [hbm:s3], $0xF7A  }
0x26: {  	[smem:$0x3F9F] =	sst s1;
	(tag) =	ssettag s2;
	_ =	strace s9  }
0x27: {  	s1 =	sld [smem:$0x3FAF]  }
0x28: {  	s2 =	sld [smem:$0x3FB0]  }
0x29: {  	s4 =	sld [smem:$0x3FB2]  }
0x2a: {  	p0 =	seq.s32 s5, $0x0;
	s5 =	sld [smem:$0x3FB3]  }
0x2b: {  	s6 =	sld [smem:$0x3FB4]  }
0x2c: {  	s7 =	sld [smem:$0x3FB5]  }
0x2d: {  	s3 =	simm.s32 $0x108;
	s8 =	sld [smem:$0x3FB6]  }
0x2e: {  	s3 =	simm.s32 @!p0 $0x1082;
	s9 =	sld [smem:$0x3FB7]  }
0x2f: {  	lr =	sadd.s32 s0, s3;
	s0 =	sld [smem:$0x3FAE]  }
0x30: {  	s3 =	sld [smem:$0x3FB1]  }
0x31: {  	[smem:$0x3FBA] =	sst s10  }
0x32: {  	s10 =	sld [smem:$0x3FB8];
	_ =	sdelay $0x3  }
0x33: {  	p0 =	seq.s32 s10, $0x1;
	s10 =	sld [smem:$0x3FBA];
	_ =	sdelay $0x3  }
0x34: {  	[smem:$0x3FBA] =	sst s10  }
0x35: {  	s10 =	sld [smem:$0x3FB9];
	_ =	sdelay $0x3  }
0x36: {  	p1 =	seq.s32 s10, $0x1;
	s10 =	sld [smem:$0x3FBA];
	_ =	sdelay $0x3  }
0x37: {  	[smem:$0x3FBA] =	sst s10  }
0x38: {  	s10 =	sld [smem:$0x3FBB]  }
0x39: {  	_ = 	snop;
	(pc) =	sbr.ind lr, $3  }
0x3a: {  	_ = 	snop  }
0x3b: {  	_ = 	snop  }
0x3c: {  	p2 =	seq.s32 s10, $0x1;
	s10 =	sld [smem:$0x3FBA]  }
0x3d: {  	_ =	shalt  }
0x3e: {  	_ =	shalt  }
0x3f: {  	_ =	shalt  }
0x40: {  	_ =	shalt  }
0x41: {  	_ =	shalt  }
0x42: {  	_ =	shalt  }
0x43: {  	_ =	shalt  }
0x44: {  	_ =	shalt  }
0x45: {  	_ =	shalt  }
0x46: {  	_ =	shalt  }
0x47: {  	_ =	shalt  }
0x48: {  	_ =	shalt  }
0x49: {  	_ =	shalt  }
0x4a: {  	_ =	shalt  }
0x4b: {  	_ =	shalt  }
0x4c: {  	_ =	shalt  }
0x4d: {  	_ =	shalt  }
0x4e: {  	_ =	shalt  }
0x4f: {  	_ =	shalt  }
0x50: {  	_ =	shalt  }
0x51: {  	_ =	shalt  }
0x52: {  	_ =	shalt  }
0x53: {  	_ =	shalt  }
0x54: {  	_ =	shalt  }
0x55: {  	_ =	shalt  }
0x56: {  	_ =	shalt  }
0x57: {  	_ =	shalt  }
0x58: {  	_ =	shalt  }
0x59: {  	_ =	shalt  }
0x5a: {  	_ =	shalt  }
0x5b: {  	_ =	shalt  }
0x5c: {  	_ =	shalt  }
0x5d: {  	_ =	shalt  }
0x5e: {  	_ =	shalt  }
0x5f: {  	_ =	shalt  }
0x60: {  	_ =	shalt  }
0x61: {  	_ =	shalt  }
0x62: {  	_ =	shalt  }
0x63: {  	_ =	shalt  }
0x64: {  	_ =	shalt  }
0x65: {  	_ =	shalt  }
0x66: {  	_ =	shalt  }
0x67: {  	_ =	shalt  }
0x68: {  	_ =	shalt  }
0x69: {  	_ =	shalt  }
0x6a: {  	_ =	shalt  }
0x6b: {  	_ =	shalt  }
0x6c: {  	_ =	shalt  }
0x6d: {  	_ =	shalt  }
0x6e: {  	_ =	shalt  }
0x6f: {  	_ =	shalt  }
0x70: {  	_ =	shalt  }
0x71: {  	_ =	shalt  }
0x72: {  	_ =	shalt  }
0x73: {  	_ =	shalt  }
0x74: {  	_ =	shalt  }
0x75: {  	_ =	shalt  }
0x76: {  	_ =	shalt  }
0x77: {  	_ =	shalt  }
0x78: {  	_ =	shalt  }
0x79: {  	_ =	shalt  }
0x7a: {  	_ =	shalt  }
0x7b: {  	_ =	shalt  }
0x7c: {  	_ =	shalt  }
0x7d: {  	_ =	shalt  }
0x7e: {  	_ =	shalt  }
0x7f: {  	_ =	shalt  }
0x80: {  	_ =	shalt  }
0x81: {  	_ =	shalt  }
0x82: {  	_ =	shalt  }
0x83: {  	_ =	shalt  }
0x84: {  	_ =	shalt  }
0x85: {  	_ =	shalt  }
0x86: {  	_ =	shalt  }
0x87: {  	_ =	shalt  }
.Lfunc_end0:
.L_simem_size_0:
called_computation_lowered:
.L_overlay_start_0:
0x88: {  	s2 =	sld [smem:$0x3FD9]  }
0x89: {  	s3 =	sld [smem:$0x3FFE];
	_ =	sdelay $0x1  }
0x8a: {  	s1 =	srdreg.scid  }
0x8b: {  	s0 =	sand.u32 $0x1, s1  }
0x8c: {  	s18 =	sshll.u32 s0, $0xA;
	s2 =	sadd.s32 s3, s2  }
0x8d: {  	s2 =	sadd.s32 s2, s18  }
0x8e: {  	[smem:$0x3FC6] =	sst s2  }
0x8f: {  	_ = 	snop  }
0x90: {  	s2 =	sld [smem:$0x3FC9]  }
0x91: {  	s19 =	sld [smem:$0x3FC8]  }
0x92: {  	s4 =	sld [smem:$0x3FD0];
	(tm) =	ssettm $0x1  }
0x93: {  	s5 =	sld [smem:$0x3FFB];
	_ =	sdelay $0x3  }
0x94: {  	_ =	strace s5  }
0x95: {  	s5 =	sld [smem:$0x3FFC];
	_ =	sdelay $0x3  }
0x96: {  	_ =	strace s5  }
0x97: {  	s5 =	sld [smem:$0x3FFD];
	_ =	sdelay $0x3  }
0x98: {  	_ =	strace s5  }
0x99: {  	_ =	strace $0x8FFFFFFF  }
0x9a: {  	s20 =	sld [smem:$0x3FDB];
	_ =	sdelay $0x1  }
0x9b: {  	s6 =	simm.s32 $_scs_section_size  }
0x9c: {  	s7 =	simm.s32 $_size__tile_overlayer_lowered;
	s8 =	simm.s32 $_tile_overlayer_lowered  }
0x9d: {  	s23 =	simm.s32 $0x1BFF;
	s22 =	sshll.u32 s8, $0x1;
	s5 =	sadd.s32 s6, s20  }
0x9e: {  	s9 =	simm.s32 $0x0;
	s21 =	sshll.u32 s7, $0x1;
	s7 =	sadd.s32 s22, s5  }
0x9f: {  	[timem:s9], [sflag:s23] =	dma.local [hbm:s7], s21  }
0xa0: {  	_ =	swait.ge [sflag:s23], s21  }
0xa1: {  	s6 =	ssub.s32 $0x0, s21;
	[sflag:s23] =	ssyncset.done $0x0  }
0xa2: {  	[sflag:s23] =	ssyncadd.s32 s6;
	_ =	sdelay $0x1  }
0xa3: {  	s24 =	simm.s32 $0x1B8B  }
0xa4: {  	_ =	swait.ge [sflag:s24], $0x1  }
0xa5: {  	[sflag:s24] =	ssyncset.done $0x0  }
0xa6: {  	s25 =	simm.s32 $0x1B8E;
	[sflag:s24] =	ssyncadd.s32 $0xFFFFFFFF  }
0xa7: {  	s26 =	simm.s32 $execute0_lowered;
	[smem:$0x3FD2] =	sst s25  }
0xa8: {  	s6 =	sshll.u32 s26, $0x1;
	_ =	strace $0x80000046;
	[dreg:$0x1] =	wrdreg $0xFFFFFFFF  }
0xa9: {  	s28 =	simm.s32 $_size_execute0_lowered;
	s5 =	sadd.s32 s5, s6;
	[dreg:$0x0] =	wrdreg $0x0  }
0xaa: {  	s6 =	sshll.u32 s28, $0x1;
	[dreg:$0x2] =	wrdreg s5  }
0xab: {  	[dreg:$0x3] =	wrdreg s6  }
0xac: {  	[dreg:$0x4] =	wrdreg $0xC0  }
0xad: {  	_ =	task [dreg:s9], $0x5FFFF  }
0xae: {  	[dreg:$0x1] =	wrdreg $0xFFFFFFFF  }
0xaf: {  	[dreg:$0x0] =	wrdreg $0x60  }
0xb0: {  	[dreg:$0x2] =	wrdreg s2  }
0xb1: {  	[dreg:$0x3] =	wrdreg s19  }
0xb2: {  	[dreg:$0x4] =	wrdreg s4  }
0xb3: {  	[dreg:$0x5] =	wrdreg $0x9  }
0xb4: {  	_ =	task.clear_ibuf [dreg:s9], $0x6FFFF;
	_ =	strace $0x90000046  }
0xb5: {  	s29 =	simm.s32 $0x9;
	_ =	strace $0x80000048  }
0xb6: {  	_ =	swait.ge [sflag:s29], $0x1  }
0xb7: {  	[sflag:s29] =	ssyncadd.s32 $0xFFFFFFFF  }
0xb8: {  	_ =	strace $0x90000048  }
0xb9: {  	_ =	sfence  }
0xba: {  	s30 =	sld [smem:$0x0];
	_ =	sdelay $0x2  }
0xbb: {  	s31 =	sshll.u32 s1, $0xD;
	s1 =	sshrl.u32 s1, $0x2  }
0xbc: {  	s3 =	sand.u32 $0x4000, s31;
	s1 =	sadd.s32 s1, s30  }
0xbd: {  	s0 =	sor.u32 s3, s0;
	s1 =	sshll.u32 s1, $0x11  }
0xbe: {  	s0 =	sor.u32 s1, s0  }
0xbf: {  	s0 =	sadd.s32 $0x8F2B, s0  }
0xc0: {  	[sflag:s0] =	ssyncadd.remote.s32 $0x1  }
0xc1: {  	_ =	sfence.sel $0xFFFF  }
0xc2: {  	[dreg:$0x0] =	wrdreg $0xFFFFFFFF;
	(pc) =	sbr.abs _section_cstart, $3  }
0xc3: {  	[dreg:$0x1] =	wrdreg $0xFFFFFFFF  }
0xc4: {  	_ =	task.clear_ibuf [dreg:s9], $0x2FFFF;
	_ =	strace $0x9FFFFFFF  }
0xc5: {  	(tm) =	ssettm $0x7FFFFFFF  }
tec
execute0_lowered:
.L_overlay_start_1:
0x0: {  	(tag) =	ssettag $0x1  }
0x1: {  	s0 =	rddreg [dreg:$0x0]  }
0x2: {  	s1 =	rddreg [dreg:$0x1]  }
0x3: {  	s2 =	rddreg [dreg:$0x2];
	s3 =	simm.s32 $0x0;
	s4 =	srdreg.scid  }
0x4: {  	s10 =	stileid.u32;
	s31 =	simm.s32 $0x8400;
	s15 =	simm.s32 $0x12400  }
0x5: {  	s11 =	simm.s32 $0x15400;
	s12 =	simm.s32 $0x16400;
	s28 =	simm.s32 $0x16C00  }
0x6: {  	s17 =	simm.s32 $0x17400;
	s13 =	simm.s32 $0x2;
	s29 =	simm.s32 $0x4  }
0x7: {  	s30 =	simm.s32 $0x5;
	s16 =	simm.s32 $0x6;
	s14 =	simm.s32 $0x0  }
0x8: {  	[smem:$0x7FF] =	sst s3;
	s4 =	sand.u32 $0x1, s4;
	s5 =	sshll.u32 s10, $0x1  }
0x9: {  	s6 =	sshll.u32 s10, $0x2;
	s21 =	sshll.u32 s10, $0x12;
	s10 =	simm.s32 $0x14C00  }
0xa: {  	_ =	strace $0x80000047;
	s5 =	sor.u32 s4, s5;
	s7 =	ssub.s32 $0x2, s4  }
0xb: {  	s6 =	sand.u32 $0x30, s6;
	s23 =	sshll.u32 s4, $0x11;
	s4 =	simm.s32 $0x13400  }
0xc: {  	s8 =	sshll.u32 s5, $0x9;
	s9 =	sshrl.u32 s7, $0x1;
	s19 =	sshll.u32 s5, $0x11  }
0xd: {  	s0 =	sadd.s32 s0, s6;
	s8 =	sand.u32 $0xE00, s8;
	s20 =	sadd.s32 s2, s19  }
0xe: {  	s5 =	sadd.s32 $0x100, s1;
	s0 =	sadd.s32 s8, s0;
	[dreg:$0x6] =	wrdreg s20  }
0xf: {  	s6 =	sadd.s32 $0x200, s1;
	s22 =	sadd.s32 $0x1D000, s20;
	[dreg:$0x5] =	wrdreg s0  }
0x10: {  	s7 =	ssub.s32 s7, s9;
	s24 =	sadd.s32 $0x1E000, s20;
	[dreg:$0x8] =	wrdreg s22  }
0x11: {  	s9 =	simm.s32 $0x14400;
	s25 =	sadd.s32 $0x1F000, s20;
	[dreg:$0x9] =	wrdreg s24  }
0x12: {  	s8 =	sadd.s32 $0x300, s1;
	s26 =	smax.u32 s7, $0x1;
	[dreg:$0xa] =	wrdreg s25  }
0x13: {  	s7 =	simm.s32 $0x3;
	s0 =	sadd.s32 $0x1C000, s20;
	[dreg:$0xb] =	wrdreg s26  }
0x14: {  	s24 =	simm.s32 $0x1;
	s25 =	simm.s32 $0x10400;
	s20 =	simm.s32 $0x11400  }
0x15: {  	v2 =	vlaneseq.u32;
	s22 =	simm.s32 $0x12C00;
	[dreg:$0x7] =	wrdreg s0;
	s0 =	sadd.s32 s21, s2  }
0x16: {  	vm0 =	vmmov $0xffff;
	v1 =	vshrl.u32 v2, $0x3;
	s26 =	simm.s32 $0x15C00;
	s2 =	simm.s32 $0x10C00;
	s0 =	sadd.s32 s23, s0  }
0x17: {  	v0 =	vand.u32 $0x7, v2;
	v2 =	vor.u32 $0x8, v2;
	v1 =	vmul.u32 $0x8, v1;
	s21 =	simm.s32 $0x11C00;
	s23 =	simm.s32 $0x13C00;
	[dreg:$0x4] =	wrdreg s0  }
.LBB2_1:
0x18: {  	s0 =	rddreg [dreg:$0x5];
	s18 =	simm.s32 $0x80;
	s19 =	simm.s32 $0x200  }
0x19: {  	[tilespmem:s3], [sflag:$0x7] =	stream.strided.gather [hbm4b:s0+s18], $0x400, s19, s18, $0x38;
	[tilespmem:$0x18400] =	vst v63  }
0x1a: {  	[dreg:$0xc] =	wrdreg s14;
	s18 =	simm.s32 $0x7  }
0x1b: {  	_ =	swait.ge [sflag:s18], $0x400  }
0x1c: {  	[sflag:s18] =	ssyncset.done $0x0  }
0x1d: {  	[sflag:s18] =	ssyncadd.s32 $0xFFFFFC00  }
0x1e: {  	v3 =	vld [tilespmem:$0x0];
	_ =	sdelay $0x4  }
0x1f: {  	v4 =	vshll.u32 v3, $0x3  }
0x20: {  	v3 =	vand.u32 $0x7, v3;
	v4 =	vand.u32 $0xFFFFFFC0, v4  }
0x21: {  	v3 =	vor.u32 v3, v4  }
0x22: {  	v4 =	vperm.xlane v3, v0;
	_ =	sdelay $0x1  }
0x23: {  	v4 =	vadd.s32 v1, v4;
	_ =	sdelay $0x3  }
0x24: {  	s14 =	simm.s32 $0x400  }
0x25: {  	[tilespmem:s14], [sflag:$0x1] =	stream.indirect_vreg.gather [hbm4b:s1+s3], $0x80, v4, vm0, $0xb8;
	[tilespmem:$0x18400] =	vst v63  }
0x26: {  	s19 =	simm.s32 $0xC00;
	v3 =	vperm.xlane v3, v2  }
0x27: {  	[tilespmem:s19], [sflag:$0x1] =	stream.indirect_vreg.gather [hbm4b:s5+s3], $0x80, v4, vm0, $0xb8;
	[tilespmem:$0x18400] =	vst v63  }
0x28: {  	s18 =	simm.s32 $0x1400;
	v3 =	vadd.s32 v1, v3  }
0x29: {  	[tilespmem:s18], [sflag:$0x1] =	stream.indirect_vreg.gather [hbm4b:s6+s3], $0x80, v4, vm0, $0xb8;
	[tilespmem:$0x18400] =	vst v63  }
0x2a: {  	s19 =	simm.s32 $0x1C00  }
0x2b: {  	[tilespmem:s19], [sflag:$0x1] =	stream.indirect_vreg.gather [hbm4b:s8+s3], $0x80, v4, vm0, $0xb8;
	[tilespmem:$0x18400] =	vst v63  }
0x2c: {  	s18 =	simm.s32 $0x2400  }
0x2d: {  	[tilespmem:s18], [sflag:$0x1] =	stream.indirect_vreg.gather [hbm4b:s1+s3], $0x80, v3, vm0, $0xb8;
	[tilespmem:$0x18400] =	vst v63  }
0x2e: {  	s19 =	simm.s32 $0x2C00  }
0x2f: {  	[tilespmem:s19], [sflag:$0x1] =	stream.indirect_vreg.gather [hbm4b:s5+s3], $0x80, v3, vm0, $0xb8;
	[tilespmem:$0x18400] =	vst v63  }
0x30: {  	s18 =	simm.s32 $0x3400  }
0x31: {  	[tilespmem:s18], [sflag:$0x1] =	stream.indirect_vreg.gather [hbm4b:s6+s3], $0x80, v3, vm0, $0xb8;
	[tilespmem:$0x18400] =	vst v63  }
0x32: {  	s19 =	simm.s32 $0x3C00  }
0x33: {  	[tilespmem:s19], [sflag:$0x1] =	stream.indirect_vreg.gather [hbm4b:s8+s3], $0x80, v3, vm0, $0xb8;
	[tilespmem:$0x18400] =	vst v63  }
0x34: {  	v3 =	vld [tilespmem:$0x10];
	_ =	sdelay $0x4  }
0x35: {  	v59 =	vshll.u32 v3, $0x3  }
0x36: {  	v3 =	vand.u32 $0x7, v3;
	v4 =	vand.u32 $0xFFFFFFC0, v59  }
0x37: {  	v3 =	vor.u32 v3, v4  }
0x38: {  	v4 =	vperm.xlane v3, v0;
	_ =	sdelay $0x1  }
0x39: {  	v4 =	vadd.s32 v1, v4;
	_ =	sdelay $0x3  }
0x3a: {  	s18 =	simm.s32 $0x4400  }
0x3b: {  	[tilespmem:s18], [sflag:$0x1] =	stream.indirect_vreg.gather [hbm4b:s1+s3], $0x80, v4, vm0, $0xb8;
	[tilespmem:$0x18400] =	vst v63  }
0x3c: {  	s19 =	simm.s32 $0x4C00;
	v3 =	vperm.xlane v3, v2  }
0x3d: {  	[tilespmem:s19], [sflag:$0x1] =	stream.indirect_vreg.gather [hbm4b:s5+s3], $0x80, v4, vm0, $0xb8;
	[tilespmem:$0x18400] =	vst v63  }
0x3e: {  	v3 =	vadd.s32 v1, v3;
	s18 =	simm.s32 $0x5400  }
0x3f: {  	[tilespmem:s18], [sflag:$0x1] =	stream.indirect_vreg.gather [hbm4b:s6+s3], $0x80, v4, vm0, $0xb8;
	[tilespmem:$0x18400] =	vst v63  }
0x40: {  	s19 =	simm.s32 $0x5C00  }
0x41: {  	[tilespmem:s19], [sflag:$0x1] =	stream.indirect_vreg.gather [hbm4b:s8+s3], $0x80, v4, vm0, $0xb8;
	[tilespmem:$0x18400] =	vst v63  }
0x42: {  	s18 =	simm.s32 $0x6400  }
0x43: {  	[tilespmem:s18], [sflag:$0x1] =	stream.indirect_vreg.gather [hbm4b:s1+s3], $0x80, v3, vm0, $0xb8;
	[tilespmem:$0x18400] =	vst v63  }
0x44: {  	s19 =	simm.s32 $0x6C00  }
0x45: {  	[tilespmem:s19], [sflag:$0x1] =	stream.indirect_vreg.gather [hbm4b:s5+s3], $0x80, v3, vm0, $0xb8;
	[tilespmem:$0x18400] =	vst v63  }
0x46: {  	s18 =	simm.s32 $0x7400  }
0x47: {  	[tilespmem:s18], [sflag:$0x1] =	stream.indirect_vreg.gather [hbm4b:s6+s3], $0x80, v3, vm0, $0xb8;
	[tilespmem:$0x18400] =	vst v63  }
0x48: {  	s19 =	simm.s32 $0x7C00  }
0x49: {  	[tilespmem:s19], [sflag:$0x1] =	stream.indirect_vreg.gather [hbm4b:s8+s3], $0x80, v3, vm0, $0xb8;
	[tilespmem:$0x18400] =	vst v63  }
0x4a: {  	v3 =	vld [tilespmem:$0x20];
	_ =	sdelay $0x4  }
0x4b: {  	v60 =	vshll.u32 v3, $0x3  }
0x4c: {  	v3 =	vand.u32 $0x7, v3;
	v4 =	vand.u32 $0xFFFFFFC0, v60  }
0x4d: {  	v3 =	vor.u32 v3, v4  }
0x4e: {  	v4 =	vperm.xlane v3, v0;
	_ =	sdelay $0x1  }
0x4f: {  	v4 =	vadd.s32 v1, v4;
	_ =	sdelay $0x4  }
0x50: {  	[tilespmem:s31], [sflag:$0x2] =	stream.indirect_vreg.gather [hbm4b:s1+s3], $0x80, v4, vm0, $0xb8;
	[tilespmem:$0x18400] =	vst v63  }
0x51: {  	s18 =	simm.s32 $0x8C00;
	v3 =	vperm.xlane v3, v2  }
0x52: {  	[tilespmem:s18], [sflag:$0x2] =	stream.indirect_vreg.gather [hbm4b:s5+s3], $0x80, v4, vm0, $0xb8;
	[tilespmem:$0x18400] =	vst v63  }
0x53: {  	s19 =	simm.s32 $0x9400;
	v3 =	vadd.s32 v1, v3  }
0x54: {  	[tilespmem:s19], [sflag:$0x2] =	stream.indirect_vreg.gather [hbm4b:s6+s3], $0x80, v4, vm0, $0xb8;
	[tilespmem:$0x18400] =	vst v63  }
0x55: {  	s18 =	simm.s32 $0x9C00  }
0x56: {  	[tilespmem:s18], [sflag:$0x2] =	stream.indirect_vreg.gather [hbm4b:s8+s3], $0x80, v4, vm0, $0xb8;
	[tilespmem:$0x18400] =	vst v63  }
0x57: {  	s19 =	simm.s32 $0xA400  }
0x58: {  	[tilespmem:s19], [sflag:$0x2] =	stream.indirect_vreg.gather [hbm4b:s1+s3], $0x80, v3, vm0, $0xb8;
	[tilespmem:$0x18400] =	vst v63  }
0x59: {  	s18 =	simm.s32 $0xAC00  }
0x5a: {  	[tilespmem:s18], [sflag:$0x2] =	stream.indirect_vreg.gather [hbm4b:s5+s3], $0x80, v3, vm0, $0xb8;
	[tilespmem:$0x18400] =	vst v63  }
0x5b: {  	s19 =	simm.s32 $0xB400  }
0x5c: {  	[tilespmem:s19], [sflag:$0x2] =	stream.indirect_vreg.gather [hbm4b:s6+s3], $0x80, v3, vm0, $0xb8;
	[tilespmem:$0x18400] =	vst v63  }
0x5d: {  	s18 =	simm.s32 $0xBC00  }
0x5e: {  	[tilespmem:s18], [sflag:$0x2] =	stream.indirect_vreg.gather [hbm4b:s8+s3], $0x80, v3, vm0, $0xb8;
	[tilespmem:$0x18400] =	vst v63  }
0x5f: {  	v3 =	vld [tilespmem:$0x30];
	_ =	sdelay $0x4  }
0x60: {  	v61 =	vshll.u32 v3, $0x3  }
0x61: {  	v3 =	vand.u32 $0x7, v3;
	v4 =	vand.u32 $0xFFFFFFC0, v61  }
0x62: {  	v3 =	vor.u32 v3, v4  }
0x63: {  	v4 =	vperm.xlane v3, v0;
	_ =	sdelay $0x1  }
0x64: {  	v4 =	vadd.s32 v1, v4;
	_ =	sdelay $0x3  }
0x65: {  	s19 =	simm.s32 $0xC400  }
0x66: {  	[tilespmem:s19], [sflag:$0x2] =	stream.indirect_vreg.gather [hbm4b:s1+s3], $0x80, v4, vm0, $0xb8;
	[tilespmem:$0x18400] =	vst v63  }
0x67: {  	s18 =	simm.s32 $0xCC00;
	v3 =	vperm.xlane v3, v2  }
0x68: {  	[tilespmem:s18], [sflag:$0x2] =	stream.indirect_vreg.gather [hbm4b:s5+s3], $0x80, v4, vm0, $0xb8;
	[tilespmem:$0x18400] =	vst v63  }
0x69: {  	v3 =	vadd.s32 v1, v3;
	s19 =	simm.s32 $0xD400  }
0x6a: {  	[tilespmem:s19], [sflag:$0x2] =	stream.indirect_vreg.gather [hbm4b:s6+s3], $0x80, v4, vm0, $0xb8;
	[tilespmem:$0x18400] =	vst v63  }
0x6b: {  	s18 =	simm.s32 $0xDC00  }
0x6c: {  	[tilespmem:s18], [sflag:$0x2] =	stream.indirect_vreg.gather [hbm4b:s8+s3], $0x80, v4, vm0, $0xb8;
	[tilespmem:$0x18400] =	vst v63  }
0x6d: {  	s19 =	simm.s32 $0xE400  }
0x6e: {  	[tilespmem:s19], [sflag:$0x2] =	stream.indirect_vreg.gather [hbm4b:s1+s3], $0x80, v3, vm0, $0xb8;
	[tilespmem:$0x18400] =	vst v63  }
0x6f: {  	s18 =	simm.s32 $0xEC00  }
0x70: {  	[tilespmem:s18], [sflag:$0x2] =	stream.indirect_vreg.gather [hbm4b:s5+s3], $0x80, v3, vm0, $0xb8;
	[tilespmem:$0x18400] =	vst v63  }
0x71: {  	s19 =	simm.s32 $0xF400  }
0x72: {  	[tilespmem:s19], [sflag:$0x2] =	stream.indirect_vreg.gather [hbm4b:s6+s3], $0x80, v3, vm0, $0xb8;
	[tilespmem:$0x18400] =	vst v63  }
0x73: {  	s18 =	simm.s32 $0xFC00  }
0x74: {  	[tilespmem:s18], [sflag:$0x2] =	stream.indirect_vreg.gather [hbm4b:s8+s3], $0x80, v3, vm0, $0xb8;
	[tilespmem:$0x18400] =	vst v63  }
0x75: {  	_ =	swait.ge [sflag:s24], $0x8000  }
0x76: {  	[sflag:s24] =	ssyncset.done $0x0  }
0x77: {  	s19 =	rddreg [dreg:$0x6];
	[sflag:s24] =	ssyncadd.s32 $0xFFFF8000  }
0x78: {  	[hbm4b:s19+s3] =	stream.linear.scatter [tilespmem:s14], [sflag:$0x4], $0x8000, $0x38;
	[tilespmem:$0x18400] =	vst v63  }
0x79: {  	v3 =	vld [tilespmem:$0x40];
	_ =	sdelay $0x4  }
0x7a: {  	v62 =	vshll.u32 v3, $0x3  }
0x7b: {  	v3 =	vand.u32 $0x7, v3;
	v4 =	vand.u32 $0xFFFFFFC0, v62  }
0x7c: {  	v3 =	vor.u32 v3, v4  }
0x7d: {  	v4 =	vperm.xlane v3, v0;
	_ =	sdelay $0x1  }
0x7e: {  	v4 =	vadd.s32 v1, v4;
	_ =	sdelay $0x4  }
0x7f: {  	[tilespmem:s25], [sflag:$0x3] =	stream.indirect_vreg.gather [hbm4b:s1+s3], $0x80, v4, vm0, $0xb8;
	[tilespmem:$0x18400] =	vst v63  }
0x80: {  	v3 =	vperm.xlane v3, v2  }
0x81: {  	[tilespmem:s2], [sflag:$0x3] =	stream.indirect_vreg.gather [hbm4b:s5+s3], $0x80, v4, vm0, $0xb8;
	[tilespmem:$0x18400] =	vst v63  }
0x82: {  	v3 =	vadd.s32 v1, v3  }
0x83: {  	[tilespmem:s20], [sflag:$0x3] =	stream.indirect_vreg.gather [hbm4b:s6+s3], $0x80, v4, vm0, $0xb8;
	[tilespmem:$0x18400] =	vst v63  }
0x84: {  	_ = 	snop  }
0x85: {  	[tilespmem:s21], [sflag:$0x3] =	stream.indirect_vreg.gather [hbm4b:s8+s3], $0x80, v4, vm0, $0xb8;
	[tilespmem:$0x18400] =	vst v63  }
0x86: {  	_ = 	snop  }
0x87: {  	[tilespmem:s15], [sflag:$0x3] =	stream.indirect_vreg.gather [hbm4b:s1+s3], $0x80, v3, vm0, $0xb8;
	[tilespmem:$0x18400] =	vst v63  }
0x88: {  	_ = 	snop  }
0x89: {  	[tilespmem:s22], [sflag:$0x3] =	stream.indirect_vreg.gather [hbm4b:s5+s3], $0x80, v3, vm0, $0xb8;
	[tilespmem:$0x18400] =	vst v63  }
0x8a: {  	_ = 	snop  }
0x8b: {  	[tilespmem:s4], [sflag:$0x3] =	stream.indirect_vreg.gather [hbm4b:s6+s3], $0x80, v3, vm0, $0xb8;
	[tilespmem:$0x18400] =	vst v63  }
0x8c: {  	_ = 	snop  }
0x8d: {  	[tilespmem:s23], [sflag:$0x3] =	stream.indirect_vreg.gather [hbm4b:s8+s3], $0x80, v3, vm0, $0xb8;
	[tilespmem:$0x18400] =	vst v63  }
0x8e: {  	v3 =	vld [tilespmem:$0x50];
	_ =	sdelay $0x4  }
0x8f: {  	v63 =	vshll.u32 v3, $0x3  }
0x90: {  	v3 =	vand.u32 $0x7, v3;
	v4 =	vand.u32 $0xFFFFFFC0, v63  }
0x91: {  	v3 =	vor.u32 v3, v4  }
0x92: {  	v4 =	vperm.xlane v3, v0;
	_ =	sdelay $0x1  }
0x93: {  	v4 =	vadd.s32 v1, v4;
	_ =	sdelay $0x4  }
0x94: {  	[tilespmem:s9], [sflag:$0x3] =	stream.indirect_vreg.gather [hbm4b:s1+s3], $0x80, v4, vm0, $0xb8;
	[tilespmem:$0x18400] =	vst v63  }
0x95: {  	v3 =	vperm.xlane v3, v2  }
0x96: {  	[tilespmem:s10], [sflag:$0x3] =	stream.indirect_vreg.gather [hbm4b:s5+s3], $0x80, v4, vm0, $0xb8;
	[tilespmem:$0x18400] =	vst v63  }
0x97: {  	v3 =	vadd.s32 v1, v3  }
0x98: {  	[tilespmem:s11], [sflag:$0x3] =	stream.indirect_vreg.gather [hbm4b:s6+s3], $0x80, v4, vm0, $0xb8;
	[tilespmem:$0x18400] =	vst v63  }
0x99: {  	s31 =	simm.s32 $0xB0;
	s18 =	simm.s32 $0x0;
	s20 =	simm.s32 $0x17C00  }
0x9a: {  	[tilespmem:s26], [sflag:$0x3] =	stream.indirect_vreg.gather [hbm4b:s8+s3], $0x80, v4, vm0, $0xb8;
	[tilespmem:$0x18400] =	vst v63  }
0x9b: {  	s21 =	simm.s32 $0x11C00;
	s15 =	simm.s32 $0x12400;
	s22 =	simm.s32 $0x12C00  }
0x9c: {  	[tilespmem:s12], [sflag:$0x3] =	stream.indirect_vreg.gather [hbm4b:s1+s3], $0x80, v3, vm0, $0xb8;
	[tilespmem:$0x18400] =	vst v63  }
0x9d: {  	s4 =	simm.s32 $0x13400;
	s23 =	simm.s32 $0x13C00;
	s9 =	simm.s32 $0x14400  }
0x9e: {  	[tilespmem:s28], [sflag:$0x3] =	stream.indirect_vreg.gather [hbm4b:s5+s3], $0x80, v3, vm0, $0xb8;
	[tilespmem:$0x18400] =	vst v63  }
0x9f: {  	s10 =	simm.s32 $0x14C00;
	s11 =	simm.s32 $0x15400;
	s26 =	simm.s32 $0x15C00  }
0xa0: {  	[tilespmem:s17], [sflag:$0x3] =	stream.indirect_vreg.gather [hbm4b:s6+s3], $0x80, v3, vm0, $0xb8;
	[tilespmem:$0x18400] =	vst v63  }
0xa1: {  	s12 =	simm.s32 $0x16400;
	s28 =	simm.s32 $0x16C00;
	s17 =	simm.s32 $0x17400  }
0xa2: {  	[tilespmem:s20], [sflag:$0x3] =	stream.indirect_vreg.gather [hbm4b:s8+s3], $0x80, v3, vm0, $0xb8;
	[tilespmem:$0x18400] =	vst v63  }
.LBB2_2:
0xa3: {  	_ =	swait.ge [sflag:s13], $0x8000  }
0xa4: {  	s0 =	rddreg [dreg:$0x4]  }
0xa5: {  	[sflag:s13] =	ssyncset.done $0x0;
	s0 =	sadd.s32 s18, s0  }
0xa6: {  	s25 =	simm.s32 $0x8400;
	[sflag:s13] =	ssyncadd.s32 $0xFFFF8000;
	s19 =	sadd.s32 $0x1000, s0  }
0xa7: {  	[hbm4b:s19+s3] =	stream.linear.scatter [tilespmem:s25], [sflag:$0x5], $0x8000, $0x38;
	[tilespmem:$0x18400] =	vst v63  }
0xa8: {  	_ =	swait.ge [sflag:s29], $0x8000  }
0xa9: {  	[sflag:s29] =	ssyncset.done $0x0  }
0xaa: {  	[sflag:s29] =	ssyncadd.s32 $0xFFFF8000  }
0xab: {  	v3 =	vld [tilespmem:s31+$0xFFFFFFB0];
	_ =	sdelay $0x4  }
0xac: {  	v4 =	vshll.u32 v3, $0x3  }
0xad: {  	v3 =	vand.u32 $0x7, v3;
	v4 =	vand.u32 $0xFFFFFFC0, v4  }
0xae: {  	v3 =	vor.u32 v3, v4  }
0xaf: {  	v4 =	vperm.xlane v3, v0;
	_ =	sdelay $0x1  }
0xb0: {  	v4 =	vadd.s32 v1, v4;
	_ =	sdelay $0x3  }
0xb1: {  	s14 =	simm.s32 $0x400  }
0xb2: {  	[tilespmem:s14], [sflag:$0x1] =	stream.indirect_vreg.gather [hbm4b:s1+s3], $0x80, v4, vm0, $0xb8;
	[tilespmem:$0x18400] =	vst v63  }
0xb3: {  	s2 =	simm.s32 $0xC00;
	v3 =	vperm.xlane v3, v2  }
0xb4: {  	[tilespmem:s2], [sflag:$0x1] =	stream.indirect_vreg.gather [hbm4b:s5+s3], $0x80, v4, vm0, $0xb8;
	[tilespmem:$0x18400] =	vst v63  }
0xb5: {  	v3 =	vadd.s32 v1, v3;
	s2 =	simm.s32 $0x1400  }
0xb6: {  	[tilespmem:s2], [sflag:$0x1] =	stream.indirect_vreg.gather [hbm4b:s6+s3], $0x80, v4, vm0, $0xb8;
	[tilespmem:$0x18400] =	vst v63  }
0xb7: {  	s2 =	simm.s32 $0x1C00  }
0xb8: {  	[tilespmem:s2], [sflag:$0x1] =	stream.indirect_vreg.gather [hbm4b:s8+s3], $0x80, v4, vm0, $0xb8;
	[tilespmem:$0x18400] =	vst v63  }
0xb9: {  	s2 =	simm.s32 $0x2400  }
0xba: {  	[tilespmem:s2], [sflag:$0x1] =	stream.indirect_vreg.gather [hbm4b:s1+s3], $0x80, v3, vm0, $0xb8;
	[tilespmem:$0x18400] =	vst v63  }
0xbb: {  	s2 =	simm.s32 $0x2C00  }
0xbc: {  	[tilespmem:s2], [sflag:$0x1] =	stream.indirect_vreg.gather [hbm4b:s5+s3], $0x80, v3, vm0, $0xb8;
	[tilespmem:$0x18400] =	vst v63  }
0xbd: {  	s2 =	simm.s32 $0x3400  }
0xbe: {  	[tilespmem:s2], [sflag:$0x1] =	stream.indirect_vreg.gather [hbm4b:s6+s3], $0x80, v3, vm0, $0xb8;
	[tilespmem:$0x18400] =	vst v63  }
0xbf: {  	s2 =	simm.s32 $0x3C00  }
0xc0: {  	[tilespmem:s2], [sflag:$0x1] =	stream.indirect_vreg.gather [hbm4b:s8+s3], $0x80, v3, vm0, $0xb8;
	[tilespmem:$0x18400] =	vst v63  }
0xc1: {  	v3 =	vld [tilespmem:s31+$0xFFFFFFC0];
	_ =	sdelay $0x4  }
0xc2: {  	v59 =	vshll.u32 v3, $0x3  }
0xc3: {  	v3 =	vand.u32 $0x7, v3;
	v4 =	vand.u32 $0xFFFFFFC0, v59  }
0xc4: {  	v3 =	vor.u32 v3, v4  }
0xc5: {  	v4 =	vperm.xlane v3, v0;
	_ =	sdelay $0x1  }
0xc6: {  	v4 =	vadd.s32 v1, v4;
	_ =	sdelay $0x3  }
0xc7: {  	s2 =	simm.s32 $0x4400  }
0xc8: {  	[tilespmem:s2], [sflag:$0x1] =	stream.indirect_vreg.gather [hbm4b:s1+s3], $0x80, v4, vm0, $0xb8;
	[tilespmem:$0x18400] =	vst v63  }
0xc9: {  	v3 =	vperm.xlane v3, v2;
	s2 =	simm.s32 $0x4C00  }
0xca: {  	[tilespmem:s2], [sflag:$0x1] =	stream.indirect_vreg.gather [hbm4b:s5+s3], $0x80, v4, vm0, $0xb8;
	[tilespmem:$0x18400] =	vst v63  }
0xcb: {  	v3 =	vadd.s32 v1, v3;
	s2 =	simm.s32 $0x5400  }
0xcc: {  	[tilespmem:s2], [sflag:$0x1] =	stream.indirect_vreg.gather [hbm4b:s6+s3], $0x80, v4, vm0, $0xb8;
	[tilespmem:$0x18400] =	vst v63  }
0xcd: {  	s2 =	simm.s32 $0x5C00  }
0xce: {  	[tilespmem:s2], [sflag:$0x1] =	stream.indirect_vreg.gather [hbm4b:s8+s3], $0x80, v4, vm0, $0xb8;
	[tilespmem:$0x18400] =	vst v63  }
0xcf: {  	s2 =	simm.s32 $0x6400  }
0xd0: {  	[tilespmem:s2], [sflag:$0x1] =	stream.indirect_vreg.gather [hbm4b:s1+s3], $0x80, v3, vm0, $0xb8;
	[tilespmem:$0x18400] =	vst v63  }
0xd1: {  	s2 =	simm.s32 $0x6C00  }
0xd2: {  	[tilespmem:s2], [sflag:$0x1] =	stream.indirect_vreg.gather [hbm4b:s5+s3], $0x80, v3, vm0, $0xb8;
	[tilespmem:$0x18400] =	vst v63  }
0xd3: {  	s2 =	simm.s32 $0x7400  }
0xd4: {  	[tilespmem:s2], [sflag:$0x1] =	stream.indirect_vreg.gather [hbm4b:s6+s3], $0x80, v3, vm0, $0xb8;
	[tilespmem:$0x18400] =	vst v63  }
0xd5: {  	s2 =	simm.s32 $0x7C00  }
0xd6: {  	[tilespmem:s2], [sflag:$0x1] =	stream.indirect_vreg.gather [hbm4b:s8+s3], $0x80, v3, vm0, $0xb8;
	[tilespmem:$0x18400] =	vst v63  }
0xd7: {  	_ =	swait.ge [sflag:s7], $0x8000  }
0xd8: {  	[sflag:s7] =	ssyncset.done $0x0  }
0xd9: {  	s19 =	sadd.s32 $0x2000, s0;
	s2 =	simm.s32 $0x10400;
	[sflag:s7] =	ssyncadd.s32 $0xFFFF8000  }
0xda: {  	[hbm4b:s19+s3] =	stream.linear.scatter [tilespmem:s2], [sflag:$0x6], $0x8000, $0x38;
	[tilespmem:$0x18400] =	vst v63  }
0xdb: {  	_ =	swait.ge [sflag:s30], $0x8000  }
0xdc: {  	[sflag:s30] =	ssyncset.done $0x0  }
0xdd: {  	[sflag:s30] =	ssyncadd.s32 $0xFFFF8000  }
0xde: {  	v3 =	vld [tilespmem:s31+$0xFFFFFFD0];
	_ =	sdelay $0x4  }
0xdf: {  	v60 =	vshll.u32 v3, $0x3  }
0xe0: {  	v3 =	vand.u32 $0x7, v3;
	v4 =	vand.u32 $0xFFFFFFC0, v60  }
0xe1: {  	v3 =	vor.u32 v3, v4  }
0xe2: {  	v4 =	vperm.xlane v3, v0;
	_ =	sdelay $0x1  }
0xe3: {  	v4 =	vadd.s32 v1, v4;
	_ =	sdelay $0x4  }
0xe4: {  	[tilespmem:s25], [sflag:$0x2] =	stream.indirect_vreg.gather [hbm4b:s1+s3], $0x80, v4, vm0, $0xb8;
	[tilespmem:$0x18400] =	vst v63  }
0xe5: {  	v3 =	vperm.xlane v3, v2;
	s25 =	simm.s32 $0x8C00  }
0xe6: {  	[tilespmem:s25], [sflag:$0x2] =	stream.indirect_vreg.gather [hbm4b:s5+s3], $0x80, v4, vm0, $0xb8;
	[tilespmem:$0x18400] =	vst v63  }
0xe7: {  	v3 =	vadd.s32 v1, v3;
	s25 =	simm.s32 $0x9400  }
0xe8: {  	[tilespmem:s25], [sflag:$0x2] =	stream.indirect_vreg.gather [hbm4b:s6+s3], $0x80, v4, vm0, $0xb8;
	[tilespmem:$0x18400] =	vst v63  }
0xe9: {  	s25 =	simm.s32 $0x9C00  }
0xea: {  	[tilespmem:s25], [sflag:$0x2] =	stream.indirect_vreg.gather [hbm4b:s8+s3], $0x80, v4, vm0, $0xb8;
	[tilespmem:$0x18400] =	vst v63  }
0xeb: {  	s25 =	simm.s32 $0xA400  }
0xec: {  	[tilespmem:s25], [sflag:$0x2] =	stream.indirect_vreg.gather [hbm4b:s1+s3], $0x80, v3, vm0, $0xb8;
	[tilespmem:$0x18400] =	vst v63  }
0xed: {  	s25 =	simm.s32 $0xAC00  }
0xee: {  	[tilespmem:s25], [sflag:$0x2] =	stream.indirect_vreg.gather [hbm4b:s5+s3], $0x80, v3, vm0, $0xb8;
	[tilespmem:$0x18400] =	vst v63  }
0xef: {  	s25 =	simm.s32 $0xB400  }
0xf0: {  	[tilespmem:s25], [sflag:$0x2] =	stream.indirect_vreg.gather [hbm4b:s6+s3], $0x80, v3, vm0, $0xb8;
	[tilespmem:$0x18400] =	vst v63  }
0xf1: {  	s25 =	simm.s32 $0xBC00  }
0xf2: {  	[tilespmem:s25], [sflag:$0x2] =	stream.indirect_vreg.gather [hbm4b:s8+s3], $0x80, v3, vm0, $0xb8;
	[tilespmem:$0x18400] =	vst v63  }
0xf3: {  	v3 =	vld [tilespmem:s31+$0xFFFFFFE0];
	_ =	sdelay $0x4  }
0xf4: {  	v61 =	vshll.u32 v3, $0x3  }
0xf5: {  	v3 =	vand.u32 $0x7, v3;
	v4 =	vand.u32 $0xFFFFFFC0, v61  }
0xf6: {  	v3 =	vor.u32 v3, v4  }
0xf7: {  	v4 =	vperm.xlane v3, v0;
	_ =	sdelay $0x1  }
0xf8: {  	v4 =	vadd.s32 v1, v4;
	_ =	sdelay $0x3  }
0xf9: {  	s25 =	simm.s32 $0xC400  }
0xfa: {  	[tilespmem:s25], [sflag:$0x2] =	stream.indirect_vreg.gather [hbm4b:s1+s3], $0x80, v4, vm0, $0xb8;
	[tilespmem:$0x18400] =	vst v63  }
0xfb: {  	v3 =	vperm.xlane v3, v2;
	s25 =	simm.s32 $0xCC00  }
0xfc: {  	[tilespmem:s25], [sflag:$0x2] =	stream.indirect_vreg.gather [hbm4b:s5+s3], $0x80, v4, vm0, $0xb8;
	[tilespmem:$0x18400] =	vst v63  }
0xfd: {  	v3 =	vadd.s32 v1, v3;
	s25 =	simm.s32 $0xD400  }
0xfe: {  	[tilespmem:s25], [sflag:$0x2] =	stream.indirect_vreg.gather [hbm4b:s6+s3], $0x80, v4, vm0, $0xb8;
	[tilespmem:$0x18400] =	vst v63  }
0xff: {  	s25 =	simm.s32 $0xDC00  }
0x100: {  	[tilespmem:s25], [sflag:$0x2] =	stream.indirect_vreg.gather [hbm4b:s8+s3], $0x80, v4, vm0, $0xb8;
	[tilespmem:$0x18400] =	vst v63  }
0x101: {  	s25 =	simm.s32 $0xE400  }
0x102: {  	[tilespmem:s25], [sflag:$0x2] =	stream.indirect_vreg.gather [hbm4b:s1+s3], $0x80, v3, vm0, $0xb8;
	[tilespmem:$0x18400] =	vst v63  }
0x103: {  	s25 =	simm.s32 $0xEC00  }
0x104: {  	[tilespmem:s25], [sflag:$0x2] =	stream.indirect_vreg.gather [hbm4b:s5+s3], $0x80, v3, vm0, $0xb8;
	[tilespmem:$0x18400] =	vst v63  }
0x105: {  	s25 =	simm.s32 $0xF400  }
0x106: {  	[tilespmem:s25], [sflag:$0x2] =	stream.indirect_vreg.gather [hbm4b:s6+s3], $0x80, v3, vm0, $0xb8;
	[tilespmem:$0x18400] =	vst v63  }
0x107: {  	s25 =	simm.s32 $0xFC00  }
0x108: {  	[tilespmem:s25], [sflag:$0x2] =	stream.indirect_vreg.gather [hbm4b:s8+s3], $0x80, v3, vm0, $0xb8;
	[tilespmem:$0x18400] =	vst v63  }
0x109: {  	_ =	swait.ge [sflag:s24], $0x8000  }
0x10a: {  	[sflag:s24] =	ssyncset.done $0x0  }
0x10b: {  	s0 =	sadd.s32 $0x3000, s0;
	[sflag:s24] =	ssyncadd.s32 $0xFFFF8000  }
0x10c: {  	[hbm4b:s0+s3] =	stream.linear.scatter [tilespmem:s14], [sflag:$0x4], $0x8000, $0x38;
	[tilespmem:$0x18400] =	vst v63  }
0x10d: {  	_ =	swait.ge [sflag:s16], $0x8000  }
0x10e: {  	[sflag:s16] =	ssyncset.done $0x0  }
0x10f: {  	[sflag:s16] =	ssyncadd.s32 $0xFFFF8000  }
0x110: {  	v3 =	vld [tilespmem:s31+$0xFFFFFFF0];
	_ =	sdelay $0x4  }
0x111: {  	v62 =	vshll.u32 v3, $0x3  }
0x112: {  	v3 =	vand.u32 $0x7, v3;
	v4 =	vand.u32 $0xFFFFFFC0, v62  }
0x113: {  	v3 =	vor.u32 v3, v4  }
0x114: {  	v4 =	vperm.xlane v3, v0;
	_ =	sdelay $0x1  }
0x115: {  	v4 =	vadd.s32 v1, v4;
	_ =	sdelay $0x4  }
0x116: {  	[tilespmem:s2], [sflag:$0x3] =	stream.indirect_vreg.gather [hbm4b:s1+s3], $0x80, v4, vm0, $0xb8;
	[tilespmem:$0x18400] =	vst v63  }
0x117: {  	s14 =	simm.s32 $0x10C00;
	v3 =	vperm.xlane v3, v2  }
0x118: {  	[tilespmem:s14], [sflag:$0x3] =	stream.indirect_vreg.gather [hbm4b:s5+s3], $0x80, v4, vm0, $0xb8;
	[tilespmem:$0x18400] =	vst v63  }
0x119: {  	s19 =	simm.s32 $0x11400;
	v3 =	vadd.s32 v1, v3  }
0x11a: {  	[tilespmem:s19], [sflag:$0x3] =	stream.indirect_vreg.gather [hbm4b:s6+s3], $0x80, v4, vm0, $0xb8;
	[tilespmem:$0x18400] =	vst v63  }
0x11b: {  	_ = 	snop  }
0x11c: {  	[tilespmem:s21], [sflag:$0x3] =	stream.indirect_vreg.gather [hbm4b:s8+s3], $0x80, v4, vm0, $0xb8;
	[tilespmem:$0x18400] =	vst v63  }
0x11d: {  	_ = 	snop  }
0x11e: {  	[tilespmem:s15], [sflag:$0x3] =	stream.indirect_vreg.gather [hbm4b:s1+s3], $0x80, v3, vm0, $0xb8;
	[tilespmem:$0x18400] =	vst v63  }
0x11f: {  	_ = 	snop  }
0x120: {  	[tilespmem:s22], [sflag:$0x3] =	stream.indirect_vreg.gather [hbm4b:s5+s3], $0x80, v3, vm0, $0xb8;
	[tilespmem:$0x18400] =	vst v63  }
0x121: {  	_ = 	snop  }
0x122: {  	[tilespmem:s4], [sflag:$0x3] =	stream.indirect_vreg.gather [hbm4b:s6+s3], $0x80, v3, vm0, $0xb8;
	[tilespmem:$0x18400] =	vst v63  }
0x123: {  	_ = 	snop  }
0x124: {  	[tilespmem:s23], [sflag:$0x3] =	stream.indirect_vreg.gather [hbm4b:s8+s3], $0x80, v3, vm0, $0xb8;
	[tilespmem:$0x18400] =	vst v63  }
0x125: {  	v3 =	vld [tilespmem:s31+$0x0];
	_ =	sdelay $0x4  }
0x126: {  	v63 =	vshll.u32 v3, $0x3  }
0x127: {  	v3 =	vand.u32 $0x7, v3;
	v4 =	vand.u32 $0xFFFFFFC0, v63  }
0x128: {  	v3 =	vor.u32 v3, v4  }
0x129: {  	v4 =	vperm.xlane v3, v0;
	_ =	sdelay $0x1  }
0x12a: {  	v4 =	vadd.s32 v1, v4;
	_ =	sdelay $0x4  }
0x12b: {  	[tilespmem:s9], [sflag:$0x3] =	stream.indirect_vreg.gather [hbm4b:s1+s3], $0x80, v4, vm0, $0xb8;
	[tilespmem:$0x18400] =	vst v63  }
0x12c: {  	v3 =	vperm.xlane v3, v2  }
0x12d: {  	[tilespmem:s10], [sflag:$0x3] =	stream.indirect_vreg.gather [hbm4b:s5+s3], $0x80, v4, vm0, $0xb8;
	[tilespmem:$0x18400] =	vst v63  }
0x12e: {  	v3 =	vadd.s32 v1, v3  }
0x12f: {  	[tilespmem:s11], [sflag:$0x3] =	stream.indirect_vreg.gather [hbm4b:s6+s3], $0x80, v4, vm0, $0xb8;
	[tilespmem:$0x18400] =	vst v63  }
0x130: {  	_ = 	snop  }
0x131: {  	[tilespmem:s26], [sflag:$0x3] =	stream.indirect_vreg.gather [hbm4b:s8+s3], $0x80, v4, vm0, $0xb8;
	[tilespmem:$0x18400] =	vst v63  }
0x132: {  	_ = 	snop  }
0x133: {  	[tilespmem:s12], [sflag:$0x3] =	stream.indirect_vreg.gather [hbm4b:s1+s3], $0x80, v3, vm0, $0xb8;
	[tilespmem:$0x18400] =	vst v63  }
0x134: {  	p0 =	sne.s32 s18, $0x18000  }
0x135: {  	[tilespmem:s28], [sflag:$0x3] =	stream.indirect_vreg.gather [hbm4b:s5+s3], $0x80, v3, vm0, $0xb8;
	[tilespmem:$0x18400] =	vst v63  }
.Ltmp0:
0x136: {  	_ = 	snop;
	(pc) =	sbr.rel @p0 .LBB2_2-.Ltmp0, $4  }
0x137: {  	_ = 	snop  }
0x138: {  	[tilespmem:s17], [sflag:$0x3] =	stream.indirect_vreg.gather [hbm4b:s6+s3], $0x80, v3, vm0, $0xb8;
	[tilespmem:$0x18400] =	vst v63  }
0x139: {  	s18 =	sadd.s32 $0x3000, s18;
	s25 =	simm.s32 $0x10400;
	s31 =	sadd.s32 $0x60, s31  }
0x13a: {  	[tilespmem:s20], [sflag:$0x3] =	stream.indirect_vreg.gather [hbm4b:s8+s3], $0x80, v3, vm0, $0xb8;
	[tilespmem:$0x18400] =	vst v63  }
0x13b: {  	_ =	swait.ge [sflag:s13], $0x8000  }
0x13c: {  	[sflag:s13] =	ssyncset.done $0x0  }
0x13d: {  	s4 =	simm.s32 $0x8400;
	s0 =	rddreg [dreg:$0x7];
	[sflag:s13] =	ssyncadd.s32 $0xFFFF8000  }
0x13e: {  	[hbm4b:s0+s3] =	stream.linear.scatter [tilespmem:s4], [sflag:$0x5], $0x8000, $0x38;
	[tilespmem:$0x18400] =	vst v63  }
0x13f: {  	_ =	swait.ge [sflag:s29], $0x8000  }
0x140: {  	[sflag:s29] =	ssyncset.done $0x0  }
0x141: {  	[sflag:s29] =	ssyncadd.s32 $0xFFFF8000  }
0x142: {  	v3 =	vld [tilespmem:$0x3C0];
	_ =	sdelay $0x4  }
0x143: {  	v4 =	vshll.u32 v3, $0x3  }
0x144: {  	v3 =	vand.u32 $0x7, v3;
	v4 =	vand.u32 $0xFFFFFFC0, v4  }
0x145: {  	v3 =	vor.u32 v3, v4  }
0x146: {  	v4 =	vperm.xlane v3, v0;
	_ =	sdelay $0x1  }
0x147: {  	v4 =	vadd.s32 v1, v4;
	_ =	sdelay $0x3  }
0x148: {  	s2 =	simm.s32 $0x400  }
0x149: {  	[tilespmem:s2], [sflag:$0x1] =	stream.indirect_vreg.gather [hbm4b:s1+s3], $0x80, v4, vm0, $0xb8;
	[tilespmem:$0x18400] =	vst v63  }
0x14a: {  	s19 =	simm.s32 $0xC00;
	v3 =	vperm.xlane v3, v2  }
0x14b: {  	[tilespmem:s19], [sflag:$0x1] =	stream.indirect_vreg.gather [hbm4b:s5+s3], $0x80, v4, vm0, $0xb8;
	[tilespmem:$0x18400] =	vst v63  }
0x14c: {  	s20 =	simm.s32 $0x1400;
	v3 =	vadd.s32 v1, v3  }
0x14d: {  	[tilespmem:s20], [sflag:$0x1] =	stream.indirect_vreg.gather [hbm4b:s6+s3], $0x80, v4, vm0, $0xb8;
	[tilespmem:$0x18400] =	vst v63  }
0x14e: {  	s21 =	simm.s32 $0x1C00  }
0x14f: {  	[tilespmem:s21], [sflag:$0x1] =	stream.indirect_vreg.gather [hbm4b:s8+s3], $0x80, v4, vm0, $0xb8;
	[tilespmem:$0x18400] =	vst v63  }
0x150: {  	s22 =	simm.s32 $0x2400  }
0x151: {  	[tilespmem:s22], [sflag:$0x1] =	stream.indirect_vreg.gather [hbm4b:s1+s3], $0x80, v3, vm0, $0xb8;
	[tilespmem:$0x18400] =	vst v63  }
0x152: {  	s23 =	simm.s32 $0x2C00  }
0x153: {  	[tilespmem:s23], [sflag:$0x1] =	stream.indirect_vreg.gather [hbm4b:s5+s3], $0x80, v3, vm0, $0xb8;
	[tilespmem:$0x18400] =	vst v63  }
0x154: {  	s26 =	simm.s32 $0x3400  }
0x155: {  	[tilespmem:s26], [sflag:$0x1] =	stream.indirect_vreg.gather [hbm4b:s6+s3], $0x80, v3, vm0, $0xb8;
	[tilespmem:$0x18400] =	vst v63  }
0x156: {  	s9 =	simm.s32 $0x3C00  }
0x157: {  	[tilespmem:s9], [sflag:$0x1] =	stream.indirect_vreg.gather [hbm4b:s8+s3], $0x80, v3, vm0, $0xb8;
	[tilespmem:$0x18400] =	vst v63  }
0x158: {  	v3 =	vld [tilespmem:$0x3D0];
	_ =	sdelay $0x4  }
0x159: {  	v61 =	vshll.u32 v3, $0x3  }
0x15a: {  	v3 =	vand.u32 $0x7, v3;
	v4 =	vand.u32 $0xFFFFFFC0, v61  }
0x15b: {  	v3 =	vor.u32 v3, v4  }
0x15c: {  	v4 =	vperm.xlane v3, v0;
	_ =	sdelay $0x1  }
0x15d: {  	v4 =	vadd.s32 v1, v4;
	_ =	sdelay $0x3  }
0x15e: {  	s10 =	simm.s32 $0x4400  }
0x15f: {  	[tilespmem:s10], [sflag:$0x1] =	stream.indirect_vreg.gather [hbm4b:s1+s3], $0x80, v4, vm0, $0xb8;
	[tilespmem:$0x18400] =	vst v63  }
0x160: {  	s11 =	simm.s32 $0x4C00;
	v3 =	vperm.xlane v3, v2  }
0x161: {  	[tilespmem:s11], [sflag:$0x1] =	stream.indirect_vreg.gather [hbm4b:s5+s3], $0x80, v4, vm0, $0xb8;
	[tilespmem:$0x18400] =	vst v63  }
0x162: {  	s12 =	simm.s32 $0x5400;
	v3 =	vadd.s32 v1, v3  }
0x163: {  	[tilespmem:s12], [sflag:$0x1] =	stream.indirect_vreg.gather [hbm4b:s6+s3], $0x80, v4, vm0, $0xb8;
	[tilespmem:$0x18400] =	vst v63  }
0x164: {  	s14 =	simm.s32 $0x5C00  }
0x165: {  	[tilespmem:s14], [sflag:$0x1] =	stream.indirect_vreg.gather [hbm4b:s8+s3], $0x80, v4, vm0, $0xb8;
	[tilespmem:$0x18400] =	vst v63  }
0x166: {  	s15 =	simm.s32 $0x6400  }
0x167: {  	[tilespmem:s15], [sflag:$0x1] =	stream.indirect_vreg.gather [hbm4b:s1+s3], $0x80, v3, vm0, $0xb8;
	[tilespmem:$0x18400] =	vst v63  }
0x168: {  	s17 =	simm.s32 $0x6C00  }
0x169: {  	[tilespmem:s17], [sflag:$0x1] =	stream.indirect_vreg.gather [hbm4b:s5+s3], $0x80, v3, vm0, $0xb8;
	[tilespmem:$0x18400] =	vst v63  }
0x16a: {  	s18 =	simm.s32 $0x7400  }
0x16b: {  	[tilespmem:s18], [sflag:$0x1] =	stream.indirect_vreg.gather [hbm4b:s6+s3], $0x80, v3, vm0, $0xb8;
	[tilespmem:$0x18400] =	vst v63  }
0x16c: {  	s19 =	simm.s32 $0x7C00  }
0x16d: {  	[tilespmem:s19], [sflag:$0x1] =	stream.indirect_vreg.gather [hbm4b:s8+s3], $0x80, v3, vm0, $0xb8;
	[tilespmem:$0x18400] =	vst v63  }
0x16e: {  	_ =	swait.ge [sflag:s7], $0x8000  }
0x16f: {  	[sflag:s7] =	ssyncset.done $0x0  }
0x170: {  	s20 =	rddreg [dreg:$0x8];
	[sflag:s7] =	ssyncadd.s32 $0xFFFF8000  }
0x171: {  	[hbm4b:s20+s3] =	stream.linear.scatter [tilespmem:s25], [sflag:$0x6], $0x8000, $0x38;
	[tilespmem:$0x18400] =	vst v63  }
0x172: {  	_ =	swait.ge [sflag:s30], $0x8000  }
0x173: {  	[sflag:s30] =	ssyncset.done $0x0  }
0x174: {  	[sflag:s30] =	ssyncadd.s32 $0xFFFF8000  }
0x175: {  	v3 =	vld [tilespmem:$0x3E0];
	_ =	sdelay $0x4  }
0x176: {  	v62 =	vshll.u32 v3, $0x3  }
0x177: {  	v3 =	vand.u32 $0x7, v3;
	v4 =	vand.u32 $0xFFFFFFC0, v62  }
0x178: {  	v3 =	vor.u32 v3, v4  }
0x179: {  	v4 =	vperm.xlane v3, v0;
	_ =	sdelay $0x1  }
0x17a: {  	v4 =	vadd.s32 v1, v4;
	_ =	sdelay $0x4  }
0x17b: {  	[tilespmem:s4], [sflag:$0x2] =	stream.indirect_vreg.gather [hbm4b:s1+s3], $0x80, v4, vm0, $0xb8;
	[tilespmem:$0x18400] =	vst v63  }
0x17c: {  	s21 =	simm.s32 $0x8C00;
	v3 =	vperm.xlane v3, v2  }
0x17d: {  	[tilespmem:s21], [sflag:$0x2] =	stream.indirect_vreg.gather [hbm4b:s5+s3], $0x80, v4, vm0, $0xb8;
	[tilespmem:$0x18400] =	vst v63  }
0x17e: {  	s22 =	simm.s32 $0x9400;
	v3 =	vadd.s32 v1, v3  }
0x17f: {  	[tilespmem:s22], [sflag:$0x2] =	stream.indirect_vreg.gather [hbm4b:s6+s3], $0x80, v4, vm0, $0xb8;
	[tilespmem:$0x18400] =	vst v63  }
0x180: {  	s23 =	simm.s32 $0x9C00  }
0x181: {  	[tilespmem:s23], [sflag:$0x2] =	stream.indirect_vreg.gather [hbm4b:s8+s3], $0x80, v4, vm0, $0xb8;
	[tilespmem:$0x18400] =	vst v63  }
0x182: {  	s26 =	simm.s32 $0xA400  }
0x183: {  	[tilespmem:s26], [sflag:$0x2] =	stream.indirect_vreg.gather [hbm4b:s1+s3], $0x80, v3, vm0, $0xb8;
	[tilespmem:$0x18400] =	vst v63  }
0x184: {  	s9 =	simm.s32 $0xAC00  }
0x185: {  	[tilespmem:s9], [sflag:$0x2] =	stream.indirect_vreg.gather [hbm4b:s5+s3], $0x80, v3, vm0, $0xb8;
	[tilespmem:$0x18400] =	vst v63  }
0x186: {  	s10 =	simm.s32 $0xB400  }
0x187: {  	[tilespmem:s10], [sflag:$0x2] =	stream.indirect_vreg.gather [hbm4b:s6+s3], $0x80, v3, vm0, $0xb8;
	[tilespmem:$0x18400] =	vst v63  }
0x188: {  	s11 =	simm.s32 $0xBC00  }
0x189: {  	[tilespmem:s11], [sflag:$0x2] =	stream.indirect_vreg.gather [hbm4b:s8+s3], $0x80, v3, vm0, $0xb8;
	[tilespmem:$0x18400] =	vst v63  }
0x18a: {  	v3 =	vld [tilespmem:$0x3F0];
	_ =	sdelay $0x4  }
0x18b: {  	v63 =	vshll.u32 v3, $0x3  }
0x18c: {  	v3 =	vand.u32 $0x7, v3;
	v4 =	vand.u32 $0xFFFFFFC0, v63  }
0x18d: {  	v3 =	vor.u32 v3, v4  }
0x18e: {  	v4 =	vperm.xlane v3, v0;
	_ =	sdelay $0x1  }
0x18f: {  	v4 =	vadd.s32 v1, v4;
	_ =	sdelay $0x3  }
0x190: {  	s12 =	simm.s32 $0xC400  }
0x191: {  	[tilespmem:s12], [sflag:$0x2] =	stream.indirect_vreg.gather [hbm4b:s1+s3], $0x80, v4, vm0, $0xb8;
	[tilespmem:$0x18400] =	vst v63  }
0x192: {  	s14 =	simm.s32 $0xCC00;
	v3 =	vperm.xlane v3, v2  }
0x193: {  	[tilespmem:s14], [sflag:$0x2] =	stream.indirect_vreg.gather [hbm4b:s5+s3], $0x80, v4, vm0, $0xb8;
	[tilespmem:$0x18400] =	vst v63  }
0x194: {  	s15 =	simm.s32 $0xD400;
	v3 =	vadd.s32 v1, v3  }
0x195: {  	[tilespmem:s15], [sflag:$0x2] =	stream.indirect_vreg.gather [hbm4b:s6+s3], $0x80, v4, vm0, $0xb8;
	[tilespmem:$0x18400] =	vst v63  }
0x196: {  	s17 =	simm.s32 $0xDC00  }
0x197: {  	[tilespmem:s17], [sflag:$0x2] =	stream.indirect_vreg.gather [hbm4b:s8+s3], $0x80, v4, vm0, $0xb8;
	[tilespmem:$0x18400] =	vst v63  }
0x198: {  	s18 =	simm.s32 $0xE400  }
0x199: {  	[tilespmem:s18], [sflag:$0x2] =	stream.indirect_vreg.gather [hbm4b:s1+s3], $0x80, v3, vm0, $0xb8;
	[tilespmem:$0x18400] =	vst v63  }
0x19a: {  	s19 =	simm.s32 $0xEC00  }
0x19b: {  	[tilespmem:s19], [sflag:$0x2] =	stream.indirect_vreg.gather [hbm4b:s5+s3], $0x80, v3, vm0, $0xb8;
	[tilespmem:$0x18400] =	vst v63  }
0x19c: {  	s20 =	simm.s32 $0xF400  }
0x19d: {  	[tilespmem:s20], [sflag:$0x2] =	stream.indirect_vreg.gather [hbm4b:s6+s3], $0x80, v3, vm0, $0xb8;
	[tilespmem:$0x18400] =	vst v63  }
0x19e: {  	s21 =	simm.s32 $0xFC00  }
0x19f: {  	[tilespmem:s21], [sflag:$0x2] =	stream.indirect_vreg.gather [hbm4b:s8+s3], $0x80, v3, vm0, $0xb8;
	[tilespmem:$0x18400] =	vst v63  }
0x1a0: {  	_ =	swait.ge [sflag:s24], $0x8000  }
0x1a1: {  	[sflag:s24] =	ssyncset.done $0x0  }
0x1a2: {  	s22 =	rddreg [dreg:$0x9];
	[sflag:s24] =	ssyncadd.s32 $0xFFFF8000  }
0x1a3: {  	[hbm4b:s22+s3] =	stream.linear.scatter [tilespmem:s2], [sflag:$0x4], $0x8000, $0x38;
	[tilespmem:$0x18400] =	vst v63  }
0x1a4: {  	_ =	swait.ge [sflag:s16], $0x8000  }
0x1a5: {  	[sflag:s16] =	ssyncset.done $0x0  }
0x1a6: {  	[sflag:s16] =	ssyncadd.s32 $0xFFFF8000  }
0x1a7: {  	_ =	swait.ge [sflag:s13], $0x8000  }
0x1a8: {  	[sflag:s13] =	ssyncset.done $0x0  }
0x1a9: {  	s23 =	rddreg [dreg:$0xa];
	[sflag:s13] =	ssyncadd.s32 $0xFFFF8000  }
0x1aa: {  	[hbm4b:s23+s3] =	stream.linear.scatter [tilespmem:s4], [sflag:$0x5], $0x8000, $0x38;
	[tilespmem:$0x18400] =	vst v63  }
0x1ab: {  	_ =	swait.ge [sflag:s29], $0x8000  }
0x1ac: {  	[sflag:s29] =	ssyncset.done $0x0  }
0x1ad: {  	[sflag:s29] =	ssyncadd.s32 $0xFFFF8000  }
0x1ae: {  	_ =	swait.ge [sflag:s30], $0x8000  }
0x1af: {  	s14 =	rddreg [dreg:$0xc]  }
0x1b0: {  	s31 =	simm.s32 $0x8400;
	s26 =	rddreg [dreg:$0xb];
	s14 =	sadd.s32 $0x1, s14  }
0x1b1: {  	s28 =	simm.s32 $0x16C00;
	s9 =	simm.s32 $0x14400;
	p0 =	sne.s32 s14, s26  }
.Ltmp1:
0x1b2: {  	s10 =	simm.s32 $0x14C00;
	s11 =	simm.s32 $0x15400;
	(pc) =	sbr.rel @p0 .LBB2_1-.Ltmp1, $4  }
0x1b3: {  	s12 =	simm.s32 $0x16400;
	s15 =	simm.s32 $0x12400;
	s17 =	simm.s32 $0x17400  }
0x1b4: {  	s20 =	simm.s32 $0x11400;
	s21 =	simm.s32 $0x11C00;
	s2 =	simm.s32 $0x10C00  }
0x1b5: {  	s22 =	simm.s32 $0x12C00;
	s4 =	simm.s32 $0x13400;
	[sflag:s30] =	ssyncset.done $0x0  }
0x1b6: {  	s23 =	simm.s32 $0x13C00;
	[sflag:s30] =	ssyncadd.s32 $0xFFFF8000;
	s26 =	simm.s32 $0x15C00  }
0x1b7: {  	_ =	sfence.sel $0x180000  }
0x1b8: {  	[bflag:$0x0] =	sbarrier.arrive $0xFFFF  }
0x1b9: {  	_ =	strace $0x90000047  }
0x1ba: {  	s0 =	stileid.u32;
	[bflag:$0x2] =	sbarrier.arrive $0xFFFF  }
0x1bb: {  	p0 =	sne.s32 s0, $0x0;
	s0 =	rddreg [dreg:$0x3]  }
0x1bc: {  	s0 =	sadd.s32 @!p0 $0x100000, s0  }
0x1bd: {  	[sflag:s0] =	ssyncadd.tile.s32 @!p0 $0x1;
	_ =	shalt  }
.Lfunc_end2:
_tile_overlayer_lowered:
.L_overlay_start_2:
0x1be: {  	(tag) =	ssettag $0x2  }
0x1bf: {  	s0 =	rddreg [dreg:$0x0];
	s2 =	stileid.u32  }
0x1c0: {  	s1 =	rddreg [dreg:$0x1];
	p0 =	sne.s32 s2, $0x0  }
0x1c1: {  	s3 =	rddreg [dreg:$0x2];
	[bflag:$0x3] =	sbarrier.arrive $0xFFFF;
	s2 =	simm.s32 @!p0 $0x1C07  }
0x1c2: {  	[timem:s3], [sflag:s2] =	dma.local @!p0 [hbm:s0], s1  }
0x1c3: {  	s0 =	simm.s32 @!p0 $0x7  }
0x1c4: {  	_ =	swait.ge @!p0 [sflag:s0], s1  }
0x1c5: {  	s1 =	ssub.s32 @!p0 $0x0, s1;
	[sflag:s0] =	ssyncset.done @!p0 $0x0  }
0x1c6: {  	[sflag:s0] =	ssyncadd.s32 @!p0 s1  }
0x1c7: {  	[bflag:$0x3] =	sbarrier.arrive $0xFFFF  }
0x1c8: {  	_ =	shalt  }

</sc_bundles>
